<compile_context>
chip_gen: v7x
topology: tpu7x:2x2x1
jax: 0.10.2.dev20260603
libtpu: 0.0.44.dev20260713+nightly
codegen_flags: <defaults>
</compile_context>

<pallas_src>
import dataclasses
import functools

import jax
import jax.numpy as jnp
from jax import lax
from jax.experimental import pallas as pl
from jax.experimental.pallas import tpu as pltpu
from jax.experimental.pallas import tpu_sc as plsc

N = 10000
E = 320000
D = 128
DH = D // 2

NC, NS, L = 2, 16, 16
NW = NC * NS
NP = 10240
NPS = 10112
RPTS = NPS // NS
CHUNK = 128
EPT = E // NS
CPT = 160
EPT_PAD = CPT * CHUNK
CPW = CPT // NC
PAD_NODE = N

_mesh = functools.partial(
    plsc.VectorSubcoreMesh, core_axis_name="c", subcore_axis_name="s",
    num_cores=NC, num_subcores=NS)


def _sc_compiler_params(tc_tiling=True):
    cp = pltpu.CompilerParams()
    if "needs_layout_passes" in pltpu.CompilerParams.__dataclass_fields__:
        cp = dataclasses.replace(cp, needs_layout_passes=False)
    if not tc_tiling:
        cp = dataclasses.replace(cp, use_tc_tiling_on_sc=False)
    return cp



def _hist_body(src_hbm, dst_hbm, out_hbm, idx_v, hist_s, hist_d):
    cid = lax.axis_index("c")
    sid = lax.axis_index("s")
    wid = cid * NS + sid

    @pl.loop(0, NP, step=L)
    def _(i):
        z = jnp.zeros((L,), jnp.float32)
        hist_s[pl.ds(i, L)] = z
        hist_d[pl.ds(i, L)] = z

    pltpu.sync_copy(src_hbm.at[sid, pl.ds(cid * CPW, CPW)], idx_v.at[0])
    pltpu.sync_copy(dst_hbm.at[sid, pl.ds(cid * CPW, CPW)], idx_v.at[1])

    ones = jnp.ones((L,), jnp.float32)

    @pl.loop(0, CPW)
    def _(j):
        @pl.loop(0, CHUNK, step=L)
        def _(i):
            plsc.addupdate_scatter(hist_s, [idx_v[0, j, pl.ds(i, L)]], ones)
            plsc.addupdate_scatter(hist_d, [idx_v[1, j, pl.ds(i, L)]], ones)

    pltpu.sync_copy(hist_s, out_hbm.at[wid, 0])
    pltpu.sync_copy(hist_d, out_hbm.at[wid, 1])


def _sc_hist(src_p, dst_p):
    kern = pl.kernel(
        _hist_body,
        out_type=jax.ShapeDtypeStruct((NW, 2, NP), jnp.float32),
        mesh=_mesh(),
        scratch_types=[
            pltpu.VMEM((2, CPW, CHUNK), jnp.int32),
            pltpu.VMEM((NP,), jnp.float32),
            pltpu.VMEM((NP,), jnp.float32),
        ],
        compiler_params=_sc_compiler_params(),
    )
    return kern(src_p, dst_p)



def _agg_body(p_hbm, src_hbm, dst_hbm, out_hbm, srcv, dstv,
              gb0, p_sh, agg_sh):
    cid = lax.axis_index("c")
    sid = lax.axis_index("s")

    @pl.loop(0, CHUNK)
    def _(r):
        @pl.loop(0, DH, step=L)
        def _(c):
            gb0[r, pl.ds(c, L)] = jnp.zeros((L,), jnp.float32)

    @pl.loop(0, RPTS - RPTS % CHUNK, step=CHUNK)
    def _(r):
        pltpu.sync_copy(gb0, agg_sh.at[pl.ds(sid * RPTS + r, CHUNK)])

    tail = RPTS % CHUNK
    pltpu.sync_copy(gb0.at[pl.ds(0, tail)],
                    agg_sh.at[pl.ds(sid * RPTS + (RPTS - tail), tail)])

    pltpu.sync_copy(p_hbm.at[cid, pl.ds(sid * RPTS, RPTS)],
                    p_sh.at[pl.ds(sid * RPTS, RPTS)])
    pltpu.sync_copy(src_hbm.at[sid], srcv)
    pltpu.sync_copy(dst_hbm.at[sid], dstv)
    plsc.subcore_barrier()

    @pl.loop(0, CPT)
    def _(j):
        pltpu.sync_copy(p_sh.at[srcv.at[j]], gb0)
        pltpu.sync_copy(gb0, agg_sh.at[dstv.at[j]], add=True)

    plsc.subcore_barrier()
    pltpu.sync_copy(agg_sh.at[pl.ds(sid * RPTS, RPTS)],
                    out_hbm.at[cid, pl.ds(sid * RPTS, RPTS)])


def _sc_aggregate(p_halves, src_p, dst_p):
    kern = pl.kernel(
        _agg_body,
        out_type=jax.ShapeDtypeStruct((NC, NP, DH), jnp.float32),
        mesh=_mesh(),
        scratch_types=[
            pltpu.VMEM((CPT, CHUNK), jnp.int32),
            pltpu.VMEM((CPT, CHUNK), jnp.int32),
            pltpu.VMEM((CHUNK, DH), jnp.float32),
            pltpu.VMEM_SHARED((NPS, DH), jnp.float32),
            pltpu.VMEM_SHARED((NPS, DH), jnp.float32),
        ],
        compiler_params=_sc_compiler_params(tc_tiling=False),
    )
    return kern(p_halves, src_p, dst_p)



_RB = 400


def _mm_scale_body(x_ref, w_ref, deg_ref, o_ref):
    ns = lax.rsqrt(jnp.maximum(
        jnp.sum(deg_ref[:, 0:NW], axis=1, keepdims=True), 1.0))
    acc = jnp.dot(x_ref[...], w_ref[...],
                  preferred_element_type=jnp.float32,
                  precision=lax.Precision.HIGHEST)
    acc = acc * ns
    o_ref[0] = acc[:, :DH]
    o_ref[1] = acc[:, DH:]


def _tc_mm_scale(x, w, degs):
    return pl.pallas_call(
        _mm_scale_body,
        grid=(N // _RB,),
        in_specs=[
            pl.BlockSpec((_RB, D), lambda i: (i, 0)),
            pl.BlockSpec((D, D), lambda i: (0, 0)),
            pl.BlockSpec((_RB, 2 * NW), lambda i: (i, 0)),
        ],
        out_specs=pl.BlockSpec((NC, _RB, DH), lambda i: (0, i, 0)),
        out_shape=jax.ShapeDtypeStruct((NC, NP, DH), jnp.float32),
    )(x, w, degs)


def _mid_body(a_ref, deg_ref, b_ref, w_ref, o_ref):
    ns = lax.rsqrt(jnp.maximum(
        jnp.sum(deg_ref[:, 0:NW], axis=1, keepdims=True), 1.0))
    nd = lax.rsqrt(jnp.maximum(
        jnp.sum(deg_ref[:, NW:2 * NW], axis=1, keepdims=True), 1.0))
    agg = jnp.concatenate([a_ref[0], a_ref[1]], axis=1)
    h = agg * nd + b_ref[...]
    h = jnp.maximum(h, 0.0)
    acc = jnp.dot(h, w_ref[...], preferred_element_type=jnp.float32,
                  precision=lax.Precision.HIGHEST)
    acc = acc * ns
    o_ref[0] = acc[:, :DH]
    o_ref[1] = acc[:, DH:]


def _tc_mid(a, degs, b1, w2):
    return pl.pallas_call(
        _mid_body,
        grid=(N // _RB,),
        in_specs=[
            pl.BlockSpec((NC, _RB, DH), lambda i: (0, i, 0)),
            pl.BlockSpec((_RB, 2 * NW), lambda i: (i, 0)),
            pl.BlockSpec((1, D), lambda i: (0, 0)),
            pl.BlockSpec((D, D), lambda i: (0, 0)),
        ],
        out_specs=pl.BlockSpec((NC, _RB, DH), lambda i: (0, i, 0)),
        out_shape=jax.ShapeDtypeStruct((NC, NP, DH), jnp.float32),
    )(a, degs, b1, w2)


def _final_body(a_ref, deg_ref, b_ref, o_ref):
    nd = lax.rsqrt(jnp.maximum(
        jnp.sum(deg_ref[:, NW:2 * NW], axis=1, keepdims=True), 1.0))
    agg = jnp.concatenate([a_ref[0], a_ref[1]], axis=1)
    o_ref[...] = agg * nd + b_ref[...]


def _tc_final(a, degs, b2):
    return pl.pallas_call(
        _final_body,
        grid=(N // _RB,),
        in_specs=[
            pl.BlockSpec((NC, _RB, DH), lambda i: (0, i, 0)),
            pl.BlockSpec((_RB, 2 * NW), lambda i: (i, 0)),
            pl.BlockSpec((1, D), lambda i: (0, 0)),
        ],
        out_specs=pl.BlockSpec((_RB, D), lambda i: (i, 0)),
        out_shape=jax.ShapeDtypeStruct((N, D), jnp.float32),
    )(a, degs, b2)


def kernel(in_feat, edge_index, W1, b1, W2, b2):
    src = edge_index[0].astype(jnp.int32)
    dst = edge_index[1].astype(jnp.int32)

    def pad_idx(a):
        a = a.reshape(NS, EPT)
        a = jnp.pad(a, ((0, 0), (0, EPT_PAD - EPT)),
                    constant_values=PAD_NODE)
        return a.reshape(NS, CPT, CHUNK)

    src_p = pad_idx(src)
    dst_p = pad_idx(dst)

    degs = _sc_hist(src_p, dst_p)
    degs8 = jnp.transpose(degs, (2, 1, 0)).reshape(NP, 2 * NW)

    p1 = _tc_mm_scale(in_feat, W1, degs8)
    agg1 = _sc_aggregate(p1, src_p, dst_p)
    p2 = _tc_mid(agg1, degs8, b1.reshape(1, D), W2)
    agg2 = _sc_aggregate(p2, src_p, dst_p)
    out = _tc_final(agg2, degs8, b2.reshape(1, D))
    return out

# --- scband reference (transcript-rebuilt; emitter-appended) ---
"""Pipeline reference for scband-gcn-9448928051731 (READ-ONLY COPY).

The authoritative reference and input builder live on the scoring server;
editing this copy changes nothing except your own understanding.
"""

import jax, jax.numpy as jnp
import numpy as np

N = 10000
E = 320000
D_IN = 128
D_H = 128
D_OUT = 128


def setup_inputs(seed: int = 0) -> dict:
    key = jax.random.key(seed)
    k1, k2, k3, k4, k5, k6 = jax.random.split(key, 6)
    in_feat = jax.random.normal(k1, (N, D_IN), dtype=jnp.float32)
    edge_index = jax.random.randint(k2, (2, E), 0, N, dtype=jnp.int32)
    W1 = jax.random.normal(k3, (D_IN, D_H), dtype=jnp.float32) * (1.0 / np.sqrt(D_IN))
    b1 = jnp.zeros((D_H,), dtype=jnp.float32)
    W2 = jax.random.normal(k4, (D_H, D_OUT), dtype=jnp.float32) * (1.0 / np.sqrt(D_H))
    b2 = jnp.zeros((D_OUT,), dtype=jnp.float32)
    return {"in_feat": in_feat, "edge_index": edge_index, "W1": W1, "b1": b1, "W2": W2, "b2": b2}


def _gcn_layer(h, W, b, src, dst, norm_src, norm_dst):
    # DGL GraphConv with norm='both': D_dst^{-1/2} A D_src^{-1/2} X W + b
    h = h * norm_src[:, None]
    h = h @ W
    msgs = jnp.take(h, src, axis=0)
    agg = jnp.zeros((N, W.shape[1]), dtype=h.dtype).at[dst].add(msgs)
    agg = agg * norm_dst[:, None]
    return agg + b


def reference(in_feat, edge_index, W1, b1, W2, b2):
    src = edge_index[0]
    dst = edge_index[1]
    deg_out = jnp.zeros((N,), dtype=jnp.float32).at[src].add(1.0)
    deg_in = jnp.zeros((N,), dtype=jnp.float32).at[dst].add(1.0)
    norm_src = jnp.power(jnp.clip(deg_out, 1.0, None), -0.5)
    norm_dst = jnp.power(jnp.clip(deg_in, 1.0, None), -0.5)
    h = _gcn_layer(in_feat, W1, b1, src, dst, norm_src, norm_dst)
    h = jax.nn.relu(h)
    h = _gcn_layer(h, W2, b2, src, dst, norm_src, norm_dst)
    return h

if __name__ == "__main__":
    import jax
    _d = setup_inputs()
    print(jax.jit(kernel)(*tuple(_d.values())))

</pallas_src>

<mosaic_0001>
#map = affine_map<(d0, d1) -> (0, 0, 0)>
module attributes {stable_mosaic.version = 14 : i64} {
  func.func @_hist_body(%arg0: i32, %arg1: i32, %arg2: memref<16x160x128xi32, #tpu.memory_space<hbm>>, %arg3: memref<16x160x128xi32, #tpu.memory_space<hbm>>, %arg4: memref<32x2x10240xf32, #tpu.memory_space<hbm>>, %arg5: memref<2x80x128xi32, #tpu.memory_space<vmem>>, %arg6: memref<10240xf32, #tpu.memory_space<vmem>>, %arg7: memref<10240xf32, #tpu.memory_space<vmem>>) attributes {dimension_semantics = [#tpu.dimension_semantics<core_parallel>, #tpu.dimension_semantics<subcore_parallel>], iteration_bounds = array<i64: 2, 16>, scalar_prefetch = 0 : i64, scratch_operands = 3 : i64, tpu.core_type = #tpu.core_type<sc_vector_subcore>, window_params = [{transform_indices = #map}, {transform_indices = #map}, {transform_indices = #map}]} {
    %mul3A = arith.constant 16 : i32
    %mul3A_0 = arith.muli %arg0, %mul3A : i32
    %add3A = arith.addi %mul3A_0, %arg1 : i32
    %scan3A = arith.constant 0 : i32
    %scan3A_1 = arith.constant 640 : i32
    %scan3A_2 = arith.addi %scan3A, %scan3A_1 : i32
    %scan3A_3 = arith.constant 1 : i32
    scf.for %scan3A_18 = %scan3A to %scan3A_2 step %scan3A_3  : i32 {
      %mul3A_19 = arith.constant 16 : i32
      %mul3A_20 = arith.muli %scan3A_18, %mul3A_19 : i32
      %add3A_21 = arith.constant 0 : i32
      %add3A_22 = arith.addi %add3A_21, %mul3A_20 : i32
      %broadcast_in_dim3A_23 = arith.constant 0.000000e+00 : f32
      %broadcast_in_dim3A_24 = vector.broadcast %broadcast_in_dim3A_23 : f32 to vector<16xf32>
      %swap3A = arith.index_cast %add3A_22 : i32 to index
      %swap3A_25 = tpu.vector_load %arg6[%swap3A] {strides = array<i32>} : memref<10240xf32, #tpu.memory_space<vmem>>, vector<16xf32>,
      tpu.vector_store %arg6[%swap3A], %broadcast_in_dim3A_24 {strides = array<i32>} : memref<10240xf32, #tpu.memory_space<vmem>>, vector<16xf32>,
      %swap3A_26 = arith.index_cast %add3A_22 : i32 to index
      %swap3A_27 = tpu.vector_load %arg7[%swap3A_26] {strides = array<i32>} : memref<10240xf32, #tpu.memory_space<vmem>>, vector<16xf32>,
      tpu.vector_store %arg7[%swap3A_26], %broadcast_in_dim3A_24 {strides = array<i32>} : memref<10240xf32, #tpu.memory_space<vmem>>, vector<16xf32>,
    }
    %scan3A_4 = arith.constant 640 : i32
    %mul3A_5 = arith.constant 80 : i32
    %mul3A_6 = arith.muli %arg0, %mul3A_5 : i32
    %run_scoped3A = arith.constant 0 : i32
    "tpu.region"() ({
      %run_scoped3A_18 = tpu.sem_alloc : memref<!tpu.dma_semaphore, #tpu.memory_space<semaphore_mem>>
      %dma_start3A = arith.constant 0 : i32
      %dma_start3A_19 = arith.constant 0 : i32
      %dma_start3A_20 = tpu.memref_slice %arg5[%run_scoped3A, %dma_start3A, %dma_start3A_19] : memref<2x80x128xi32, #tpu.memory_space<vmem>> -> memref<1x80x128xi32, #tpu.memory_space<vmem>>
      %dma_start3A_21 = tpu.memref_squeeze %dma_start3A_20 : memref<1x80x128xi32, #tpu.memory_space<vmem>> -> memref<80x128xi32, #tpu.memory_space<vmem>>
      %dma_start3A_22 = arith.constant 0 : i32
      %dma_start3A_23 = tpu.memref_slice %arg2[%arg1, %mul3A_6, %dma_start3A_22] : memref<16x160x128xi32, #tpu.memory_space<hbm>> -> memref<1x80x128xi32, #tpu.memory_space<hbm>>
      %dma_start3A_24 = tpu.memref_squeeze %dma_start3A_23 : memref<1x80x128xi32, #tpu.memory_space<hbm>> -> memref<80x128xi32, #tpu.memory_space<hbm>>
      %dma_start3A_25 = arith.constant 0 : i32
      %dma_start3A_26 = arith.constant 0 : i32
      %dma_start3A_27 = tpu.memref_slice %arg5[%run_scoped3A, %dma_start3A_25, %dma_start3A_26] : memref<2x80x128xi32, #tpu.memory_space<vmem>> -> memref<1x80x128xi32, #tpu.memory_space<vmem>>
      %dma_start3A_28 = tpu.memref_squeeze %dma_start3A_27 : memref<1x80x128xi32, #tpu.memory_space<vmem>> -> memref<80x128xi32, #tpu.memory_space<vmem>>
      %dma_start3A_29 = arith.constant 0 : i32
      %dma_start3A_30 = tpu.memref_slice %arg2[%arg1, %mul3A_6, %dma_start3A_29] : memref<16x160x128xi32, #tpu.memory_space<hbm>> -> memref<1x80x128xi32, #tpu.memory_space<hbm>>
      %dma_start3A_31 = tpu.memref_squeeze %dma_start3A_30 : memref<1x80x128xi32, #tpu.memory_space<hbm>> -> memref<80x128xi32, #tpu.memory_space<hbm>>
      tpu.enqueue_dma source(%dma_start3A_31 : memref<80x128xi32, #tpu.memory_space<hbm>>) target(%dma_start3A_28 : memref<80x128xi32, #tpu.memory_space<vmem>>) target_semaphore(%run_scoped3A_18 : memref<!tpu.dma_semaphore, #tpu.memory_space<semaphore_mem>>)
      %dma_wait3A = arith.constant 0 : i32
      %dma_wait3A_32 = arith.constant 0 : i32
      %dma_wait3A_33 = tpu.memref_slice %arg5[%run_scoped3A, %dma_wait3A, %dma_wait3A_32] : memref<2x80x128xi32, #tpu.memory_space<vmem>> -> memref<1x80x128xi32, #tpu.memory_space<vmem>>
      %dma_wait3A_34 = tpu.memref_squeeze %dma_wait3A_33 : memref<1x80x128xi32, #tpu.memory_space<vmem>> -> memref<80x128xi32, #tpu.memory_space<vmem>>
      %dma_wait3A_35 = arith.constant 0 : i32
      %dma_wait3A_36 = tpu.memref_slice %arg2[%arg1, %mul3A_6, %dma_wait3A_35] : memref<16x160x128xi32, #tpu.memory_space<hbm>> -> memref<1x80x128xi32, #tpu.memory_space<hbm>>
      %dma_wait3A_37 = tpu.memref_squeeze %dma_wait3A_36 : memref<1x80x128xi32, #tpu.memory_space<hbm>> -> memref<80x128xi32, #tpu.memory_space<hbm>>
      %dma_wait3A_38 = arith.constant 0 : i32
      %dma_wait3A_39 = arith.constant 0 : i32
      %dma_wait3A_40 = tpu.memref_slice %arg5[%run_scoped3A, %dma_wait3A_38, %dma_wait3A_39] : memref<2x80x128xi32, #tpu.memory_space<vmem>> -> memref<1x80x128xi32, #tpu.memory_space<vmem>>
      %dma_wait3A_41 = tpu.memref_squeeze %dma_wait3A_40 : memref<1x80x128xi32, #tpu.memory_space<vmem>> -> memref<80x128xi32, #tpu.memory_space<vmem>>
      %dma_wait3A_42 = arith.constant 0 : i32
      %dma_wait3A_43 = tpu.memref_slice %arg2[%arg1, %mul3A_6, %dma_wait3A_42] : memref<16x160x128xi32, #tpu.memory_space<hbm>> -> memref<1x80x128xi32, #tpu.memory_space<hbm>>
      %dma_wait3A_44 = tpu.memref_squeeze %dma_wait3A_43 : memref<1x80x128xi32, #tpu.memory_space<hbm>> -> memref<80x128xi32, #tpu.memory_space<hbm>>
      tpu.wait_dma2 semaphore(%run_scoped3A_18 : memref<!tpu.dma_semaphore, #tpu.memory_space<semaphore_mem>>) src(%dma_wait3A_44 : memref<80x128xi32, #tpu.memory_space<hbm>>) dst(%dma_wait3A_41 : memref<80x128xi32, #tpu.memory_space<vmem>>)
      tpu.yield
    }) : () -> ()
    %mul3A_7 = arith.constant 80 : i32
    %mul3A_8 = arith.muli %arg0, %mul3A_7 : i32
    %run_scoped3A_9 = arith.constant 1 : i32
    "tpu.region"() ({
      %run_scoped3A_18 = tpu.sem_alloc : memref<!tpu.dma_semaphore, #tpu.memory_space<semaphore_mem>>
      %dma_start3A = arith.constant 0 : i32
      %dma_start3A_19 = arith.constant 0 : i32
      %dma_start3A_20 = tpu.memref_slice %arg5[%run_scoped3A_9, %dma_start3A, %dma_start3A_19] : memref<2x80x128xi32, #tpu.memory_space<vmem>> -> memref<1x80x128xi32, #tpu.memory_space<vmem>>
      %dma_start3A_21 = tpu.memref_squeeze %dma_start3A_20 : memref<1x80x128xi32, #tpu.memory_space<vmem>> -> memref<80x128xi32, #tpu.memory_space<vmem>>
      %dma_start3A_22 = arith.constant 0 : i32
      %dma_start3A_23 = tpu.memref_slice %arg3[%arg1, %mul3A_8, %dma_start3A_22] : memref<16x160x128xi32, #tpu.memory_space<hbm>> -> memref<1x80x128xi32, #tpu.memory_space<hbm>>
      %dma_start3A_24 = tpu.memref_squeeze %dma_start3A_23 : memref<1x80x128xi32, #tpu.memory_space<hbm>> -> memref<80x128xi32, #tpu.memory_space<hbm>>
      %dma_start3A_25 = arith.constant 0 : i32
      %dma_start3A_26 = arith.constant 0 : i32
      %dma_start3A_27 = tpu.memref_slice %arg5[%run_scoped3A_9, %dma_start3A_25, %dma_start3A_26] : memref<2x80x128xi32, #tpu.memory_space<vmem>> -> memref<1x80x128xi32, #tpu.memory_space<vmem>>
      %dma_start3A_28 = tpu.memref_squeeze %dma_start3A_27 : memref<1x80x128xi32, #tpu.memory_space<vmem>> -> memref<80x128xi32, #tpu.memory_space<vmem>>
      %dma_start3A_29 = arith.constant 0 : i32
      %dma_start3A_30 = tpu.memref_slice %arg3[%arg1, %mul3A_8, %dma_start3A_29] : memref<16x160x128xi32, #tpu.memory_space<hbm>> -> memref<1x80x128xi32, #tpu.memory_space<hbm>>
      %dma_start3A_31 = tpu.memref_squeeze %dma_start3A_30 : memref<1x80x128xi32, #tpu.memory_space<hbm>> -> memref<80x128xi32, #tpu.memory_space<hbm>>
      tpu.enqueue_dma source(%dma_start3A_31 : memref<80x128xi32, #tpu.memory_space<hbm>>) target(%dma_start3A_28 : memref<80x128xi32, #tpu.memory_space<vmem>>) target_semaphore(%run_scoped3A_18 : memref<!tpu.dma_semaphore, #tpu.memory_space<semaphore_mem>>)
      %dma_wait3A = arith.constant 0 : i32
      %dma_wait3A_32 = arith.constant 0 : i32
      %dma_wait3A_33 = tpu.memref_slice %arg5[%run_scoped3A_9, %dma_wait3A, %dma_wait3A_32] : memref<2x80x128xi32, #tpu.memory_space<vmem>> -> memref<1x80x128xi32, #tpu.memory_space<vmem>>
      %dma_wait3A_34 = tpu.memref_squeeze %dma_wait3A_33 : memref<1x80x128xi32, #tpu.memory_space<vmem>> -> memref<80x128xi32, #tpu.memory_space<vmem>>
      %dma_wait3A_35 = arith.constant 0 : i32
      %dma_wait3A_36 = tpu.memref_slice %arg3[%arg1, %mul3A_8, %dma_wait3A_35] : memref<16x160x128xi32, #tpu.memory_space<hbm>> -> memref<1x80x128xi32, #tpu.memory_space<hbm>>
      %dma_wait3A_37 = tpu.memref_squeeze %dma_wait3A_36 : memref<1x80x128xi32, #tpu.memory_space<hbm>> -> memref<80x128xi32, #tpu.memory_space<hbm>>
      %dma_wait3A_38 = arith.constant 0 : i32
      %dma_wait3A_39 = arith.constant 0 : i32
      %dma_wait3A_40 = tpu.memref_slice %arg5[%run_scoped3A_9, %dma_wait3A_38, %dma_wait3A_39] : memref<2x80x128xi32, #tpu.memory_space<vmem>> -> memref<1x80x128xi32, #tpu.memory_space<vmem>>
      %dma_wait3A_41 = tpu.memref_squeeze %dma_wait3A_40 : memref<1x80x128xi32, #tpu.memory_space<vmem>> -> memref<80x128xi32, #tpu.memory_space<vmem>>
      %dma_wait3A_42 = arith.constant 0 : i32
      %dma_wait3A_43 = tpu.memref_slice %arg3[%arg1, %mul3A_8, %dma_wait3A_42] : memref<16x160x128xi32, #tpu.memory_space<hbm>> -> memref<1x80x128xi32, #tpu.memory_space<hbm>>
      %dma_wait3A_44 = tpu.memref_squeeze %dma_wait3A_43 : memref<1x80x128xi32, #tpu.memory_space<hbm>> -> memref<80x128xi32, #tpu.memory_space<hbm>>
      tpu.wait_dma2 semaphore(%run_scoped3A_18 : memref<!tpu.dma_semaphore, #tpu.memory_space<semaphore_mem>>) src(%dma_wait3A_44 : memref<80x128xi32, #tpu.memory_space<hbm>>) dst(%dma_wait3A_41 : memref<80x128xi32, #tpu.memory_space<vmem>>)
      tpu.yield
    }) : () -> ()
    %broadcast_in_dim3A = arith.constant 1.000000e+00 : f32
    %broadcast_in_dim3A_10 = vector.broadcast %broadcast_in_dim3A : f32 to vector<16xf32>
    %scan3A_11 = arith.constant 0 : i32
    %scan3A_12 = arith.constant 80 : i32
    %scan3A_13 = arith.addi %scan3A_11, %scan3A_12 : i32
    %scan3A_14 = arith.constant 1 : i32
    scf.for %scan3A_18 = %scan3A_11 to %scan3A_13 step %scan3A_14  : i32 {
      %mul3A_19 = arith.constant 1 : i32
      %mul3A_20 = arith.muli %scan3A_18, %mul3A_19 : i32
      %add3A_21 = arith.constant 0 : i32
      %add3A_22 = arith.addi %add3A_21, %mul3A_20 : i32
      %scan3A_23 = arith.constant 0 : i32
      %scan3A_24 = arith.constant 8 : i32
      %scan3A_25 = arith.addi %scan3A_23, %scan3A_24 : i32
      %scan3A_26 = arith.constant 1 : i32
      scf.for %scan3A_28 = %scan3A_23 to %scan3A_25 step %scan3A_26  : i32 {
        %mul3A_29 = arith.constant 16 : i32
        %mul3A_30 = arith.muli %scan3A_28, %mul3A_29 : i32
        %add3A_31 = arith.constant 0 : i32
        %add3A_32 = arith.addi %add3A_31, %mul3A_30 : i32
        %get3A = arith.constant 0 : i32
        %get3A_33 = arith.index_cast %get3A : i32 to index
        %get3A_34 = arith.index_cast %add3A_22 : i32 to index
        %get3A_35 = arith.index_cast %add3A_32 : i32 to index
        %get3A_36 = tpu.vector_load %arg5[%get3A_33, %get3A_34, %get3A_35] {strides = array<i32>} : memref<2x80x128xi32, #tpu.memory_space<vmem>>, vector<16xi32>,
        tpu.vector_store_idx %arg6[%get3A_36], %broadcast_in_dim3A_10 {add = true} : memref<10240xf32, #tpu.memory_space<vmem>>[vector<16xi32>], vector<16xf32>,
        %get3A_37 = arith.constant 1 : i32
        %get3A_38 = arith.index_cast %get3A_37 : i32 to index
        %get3A_39 = arith.index_cast %add3A_22 : i32 to index
        %get3A_40 = arith.index_cast %add3A_32 : i32 to index
        %get3A_41 = tpu.vector_load %arg5[%get3A_38, %get3A_39, %get3A_40] {strides = array<i32>} : memref<2x80x128xi32, #tpu.memory_space<vmem>>, vector<16xi32>,
        tpu.vector_store_idx %arg7[%get3A_41], %broadcast_in_dim3A_10 {add = true} : memref<10240xf32, #tpu.memory_space<vmem>>[vector<16xi32>], vector<16xf32>,
      }
      %scan3A_27 = arith.constant 8 : i32
    }
    %scan3A_15 = arith.constant 80 : i32
    %run_scoped3A_16 = arith.constant 0 : i32
    "tpu.region"() ({
      %run_scoped3A_18 = tpu.sem_alloc : memref<!tpu.dma_semaphore, #tpu.memory_space<semaphore_mem>>
      %dma_start3A = arith.constant 0 : i32
      %dma_start3A_19 = tpu.memref_slice %arg4[%add3A, %run_scoped3A_16, %dma_start3A] : memref<32x2x10240xf32, #tpu.memory_space<hbm>> -> memref<1x1x10240xf32, #tpu.memory_space<hbm>>
      %dma_start3A_20 = tpu.memref_squeeze %dma_start3A_19 : memref<1x1x10240xf32, #tpu.memory_space<hbm>> -> memref<10240xf32, #tpu.memory_space<hbm>>
      %dma_start3A_21 = arith.constant 0 : i32
      %dma_start3A_22 = tpu.memref_slice %arg4[%add3A, %run_scoped3A_16, %dma_start3A_21] : memref<32x2x10240xf32, #tpu.memory_space<hbm>> -> memref<1x1x10240xf32, #tpu.memory_space<hbm>>
      %dma_start3A_23 = tpu.memref_squeeze %dma_start3A_22 : memref<1x1x10240xf32, #tpu.memory_space<hbm>> -> memref<10240xf32, #tpu.memory_space<hbm>>
      tpu.enqueue_dma source(%arg6 : memref<10240xf32, #tpu.memory_space<vmem>>) target(%dma_start3A_23 : memref<10240xf32, #tpu.memory_space<hbm>>) target_semaphore(%run_scoped3A_18 : memref<!tpu.dma_semaphore, #tpu.memory_space<semaphore_mem>>)
      %dma_wait3A = arith.constant 0 : i32
      %dma_wait3A_24 = tpu.memref_slice %arg4[%add3A, %run_scoped3A_16, %dma_wait3A] : memref<32x2x10240xf32, #tpu.memory_space<hbm>> -> memref<1x1x10240xf32, #tpu.memory_space<hbm>>
      %dma_wait3A_25 = tpu.memref_squeeze %dma_wait3A_24 : memref<1x1x10240xf32, #tpu.memory_space<hbm>> -> memref<10240xf32, #tpu.memory_space<hbm>>
      %dma_wait3A_26 = arith.constant 0 : i32
      %dma_wait3A_27 = tpu.memref_slice %arg4[%add3A, %run_scoped3A_16, %dma_wait3A_26] : memref<32x2x10240xf32, #tpu.memory_space<hbm>> -> memref<1x1x10240xf32, #tpu.memory_space<hbm>>
      %dma_wait3A_28 = tpu.memref_squeeze %dma_wait3A_27 : memref<1x1x10240xf32, #tpu.memory_space<hbm>> -> memref<10240xf32, #tpu.memory_space<hbm>>
      tpu.wait_dma2 semaphore(%run_scoped3A_18 : memref<!tpu.dma_semaphore, #tpu.memory_space<semaphore_mem>>) src(%arg6 : memref<10240xf32, #tpu.memory_space<vmem>>) dst(%dma_wait3A_28 : memref<10240xf32, #tpu.memory_space<hbm>>)
      tpu.yield
    }) : () -> ()
    %run_scoped3A_17 = arith.constant 1 : i32
    "tpu.region"() ({
      %run_scoped3A_18 = tpu.sem_alloc : memref<!tpu.dma_semaphore, #tpu.memory_space<semaphore_mem>>
      %dma_start3A = arith.constant 0 : i32
      %dma_start3A_19 = tpu.memref_slice %arg4[%add3A, %run_scoped3A_17, %dma_start3A] : memref<32x2x10240xf32, #tpu.memory_space<hbm>> -> memref<1x1x10240xf32, #tpu.memory_space<hbm>>
      %dma_start3A_20 = tpu.memref_squeeze %dma_start3A_19 : memref<1x1x10240xf32, #tpu.memory_space<hbm>> -> memref<10240xf32, #tpu.memory_space<hbm>>
      %dma_start3A_21 = arith.constant 0 : i32
      %dma_start3A_22 = tpu.memref_slice %arg4[%add3A, %run_scoped3A_17, %dma_start3A_21] : memref<32x2x10240xf32, #tpu.memory_space<hbm>> -> memref<1x1x10240xf32, #tpu.memory_space<hbm>>
      %dma_start3A_23 = tpu.memref_squeeze %dma_start3A_22 : memref<1x1x10240xf32, #tpu.memory_space<hbm>> -> memref<10240xf32, #tpu.memory_space<hbm>>
      tpu.enqueue_dma source(%arg7 : memref<10240xf32, #tpu.memory_space<vmem>>) target(%dma_start3A_23 : memref<10240xf32, #tpu.memory_space<hbm>>) target_semaphore(%run_scoped3A_18 : memref<!tpu.dma_semaphore, #tpu.memory_space<semaphore_mem>>)
      %dma_wait3A = arith.constant 0 : i32
      %dma_wait3A_24 = tpu.memref_slice %arg4[%add3A, %run_scoped3A_17, %dma_wait3A] : memref<32x2x10240xf32, #tpu.memory_space<hbm>> -> memref<1x1x10240xf32, #tpu.memory_space<hbm>>
      %dma_wait3A_25 = tpu.memref_squeeze %dma_wait3A_24 : memref<1x1x10240xf32, #tpu.memory_space<hbm>> -> memref<10240xf32, #tpu.memory_space<hbm>>
      %dma_wait3A_26 = arith.constant 0 : i32
      %dma_wait3A_27 = tpu.memref_slice %arg4[%add3A, %run_scoped3A_17, %dma_wait3A_26] : memref<32x2x10240xf32, #tpu.memory_space<hbm>> -> memref<1x1x10240xf32, #tpu.memory_space<hbm>>
      %dma_wait3A_28 = tpu.memref_squeeze %dma_wait3A_27 : memref<1x1x10240xf32, #tpu.memory_space<hbm>> -> memref<10240xf32, #tpu.memory_space<hbm>>
      tpu.wait_dma2 semaphore(%run_scoped3A_18 : memref<!tpu.dma_semaphore, #tpu.memory_space<semaphore_mem>>) src(%arg7 : memref<10240xf32, #tpu.memory_space<vmem>>) dst(%dma_wait3A_28 : memref<10240xf32, #tpu.memory_space<hbm>>)
      tpu.yield
    }) : () -> ()
    return
  }
}

#map = affine_map<(d0, d1) -> (0, 0, 0)>
module attributes {stable_mosaic.version = 14 : i64} {
  func.func @_agg_body(%arg0: i32, %arg1: i32, %arg2: memref<2x10240x64xf32, #tpu.memory_space<hbm>>, %arg3: memref<16x160x128xi32, #tpu.memory_space<hbm>>, %arg4: memref<16x160x128xi32, #tpu.memory_space<hbm>>, %arg5: memref<2x10240x64xf32, #tpu.memory_space<hbm>>, %arg6: memref<160x128xi32, #tpu.memory_space<vmem>>, %arg7: memref<160x128xi32, #tpu.memory_space<vmem>>, %arg8: memref<128x64xf32, #tpu.memory_space<vmem>>, %arg9: memref<10112x64xf32, #tpu.memory_space<vmem_shared>>, %arg10: memref<10112x64xf32, #tpu.memory_space<vmem_shared>>) attributes {dimension_semantics = [#tpu.dimension_semantics<core_parallel>, #tpu.dimension_semantics<subcore_parallel>], iteration_bounds = array<i64: 2, 16>, scalar_prefetch = 0 : i64, scratch_operands = 5 : i64, tpu.core_type = #tpu.core_type<sc_vector_subcore>, window_params = [{transform_indices = #map}, {transform_indices = #map}, {transform_indices = #map}, {transform_indices = #map}]} {
    %scan3A = arith.constant 0 : i32
    %scan3A_0 = arith.constant 128 : i32
    %scan3A_1 = arith.addi %scan3A, %scan3A_0 : i32
    %scan3A_2 = arith.constant 1 : i32
    scf.for %scan3A_25 = %scan3A to %scan3A_1 step %scan3A_2  : i32 {
      %mul3A_26 = arith.constant 1 : i32
      %mul3A_27 = arith.muli %scan3A_25, %mul3A_26 : i32
      %add3A_28 = arith.constant 0 : i32
      %add3A_29 = arith.addi %add3A_28, %mul3A_27 : i32
      %scan3A_30 = arith.constant 0 : i32
      %scan3A_31 = arith.constant 4 : i32
      %scan3A_32 = arith.addi %scan3A_30, %scan3A_31 : i32
      %scan3A_33 = arith.constant 1 : i32
      scf.for %scan3A_35 = %scan3A_30 to %scan3A_32 step %scan3A_33  : i32 {
        %mul3A_36 = arith.constant 16 : i32
        %mul3A_37 = arith.muli %scan3A_35, %mul3A_36 : i32
        %add3A_38 = arith.constant 0 : i32
        %add3A_39 = arith.addi %add3A_38, %mul3A_37 : i32
        %broadcast_in_dim3A = arith.constant 0.000000e+00 : f32
        %broadcast_in_dim3A_40 = vector.broadcast %broadcast_in_dim3A : f32 to vector<16xf32>
        %swap3A = arith.index_cast %add3A_29 : i32 to index
        %swap3A_41 = arith.index_cast %add3A_39 : i32 to index
        %swap3A_42 = tpu.vector_load %arg8[%swap3A, %swap3A_41] {strides = array<i32>} : memref<128x64xf32, #tpu.memory_space<vmem>>, vector<16xf32>,
        tpu.vector_store %arg8[%swap3A, %swap3A_41], %broadcast_in_dim3A_40 {strides = array<i32>} : memref<128x64xf32, #tpu.memory_space<vmem>>, vector<16xf32>,
      }
      %scan3A_34 = arith.constant 4 : i32
    }
    %scan3A_3 = arith.constant 128 : i32
    %scan3A_4 = arith.constant 0 : i32
    %scan3A_5 = arith.constant 4 : i32
    %scan3A_6 = arith.addi %scan3A_4, %scan3A_5 : i32
    %scan3A_7 = arith.constant 1 : i32
    scf.for %scan3A_25 = %scan3A_4 to %scan3A_6 step %scan3A_7  : i32 {
      %mul3A_26 = arith.constant 128 : i32
      %mul3A_27 = arith.muli %scan3A_25, %mul3A_26 : i32
      %add3A_28 = arith.constant 0 : i32
      %add3A_29 = arith.addi %add3A_28, %mul3A_27 : i32
      %mul3A_30 = arith.constant 632 : i32
      %mul3A_31 = arith.muli %arg1, %mul3A_30 : i32
      %add3A_32 = arith.addi %mul3A_31, %add3A_29 : i32
      "tpu.region"() ({
        %run_scoped3A = tpu.sem_alloc : memref<!tpu.dma_semaphore, #tpu.memory_space<semaphore_mem>>
        %dma_start3A = arith.constant 0 : i32
        %dma_start3A_33 = tpu.memref_slice %arg10[%add3A_32, %dma_start3A] : memref<10112x64xf32, #tpu.memory_space<vmem_shared>> -> memref<128x64xf32, #tpu.memory_space<vmem_shared>>
        %dma_start3A_34 = arith.constant 0 : i32
        %dma_start3A_35 = tpu.memref_slice %arg10[%add3A_32, %dma_start3A_34] : memref<10112x64xf32, #tpu.memory_space<vmem_shared>> -> memref<128x64xf32, #tpu.memory_space<vmem_shared>>
        tpu.enqueue_dma source(%arg8 : memref<128x64xf32, #tpu.memory_space<vmem>>) target(%dma_start3A_35 : memref<128x64xf32, #tpu.memory_space<vmem_shared>>) target_semaphore(%run_scoped3A : memref<!tpu.dma_semaphore, #tpu.memory_space<semaphore_mem>>)
        %dma_wait3A = arith.constant 0 : i32
        %dma_wait3A_36 = tpu.memref_slice %arg10[%add3A_32, %dma_wait3A] : memref<10112x64xf32, #tpu.memory_space<vmem_shared>> -> memref<128x64xf32, #tpu.memory_space<vmem_shared>>
        %dma_wait3A_37 = arith.constant 0 : i32
        %dma_wait3A_38 = tpu.memref_slice %arg10[%add3A_32, %dma_wait3A_37] : memref<10112x64xf32, #tpu.memory_space<vmem_shared>> -> memref<128x64xf32, #tpu.memory_space<vmem_shared>>
        tpu.wait_dma2 semaphore(%run_scoped3A : memref<!tpu.dma_semaphore, #tpu.memory_space<semaphore_mem>>) src(%arg8 : memref<128x64xf32, #tpu.memory_space<vmem>>) dst(%dma_wait3A_38 : memref<128x64xf32, #tpu.memory_space<vmem_shared>>)
        tpu.yield
      }) : () -> ()
    }
    %scan3A_8 = arith.constant 4 : i32
    %mul3A = arith.constant 632 : i32
    %mul3A_9 = arith.muli %arg1, %mul3A : i32
    %add3A = arith.constant 512 : i32
    %add3A_10 = arith.addi %mul3A_9, %add3A : i32
    "tpu.region"() ({
      %run_scoped3A = tpu.sem_alloc : memref<!tpu.dma_semaphore, #tpu.memory_space<semaphore_mem>>
      %dma_start3A = arith.constant 0 : i32
      %dma_start3A_25 = arith.constant 0 : i32
      %dma_start3A_26 = tpu.memref_slice %arg8[%dma_start3A, %dma_start3A_25] : memref<128x64xf32, #tpu.memory_space<vmem>> -> memref<120x64xf32, #tpu.memory_space<vmem>>
      %dma_start3A_27 = arith.constant 0 : i32
      %dma_start3A_28 = tpu.memref_slice %arg10[%add3A_10, %dma_start3A_27] : memref<10112x64xf32, #tpu.memory_space<vmem_shared>> -> memref<120x64xf32, #tpu.memory_space<vmem_shared>>
      %dma_start3A_29 = arith.constant 0 : i32
      %dma_start3A_30 = tpu.memref_slice %arg10[%add3A_10, %dma_start3A_29] : memref<10112x64xf32, #tpu.memory_space<vmem_shared>> -> memref<120x64xf32, #tpu.memory_space<vmem_shared>>
      %dma_start3A_31 = arith.constant 0 : i32
      %dma_start3A_32 = arith.constant 0 : i32
      %dma_start3A_33 = tpu.memref_slice %arg8[%dma_start3A_31, %dma_start3A_32] : memref<128x64xf32, #tpu.memory_space<vmem>> -> memref<120x64xf32, #tpu.memory_space<vmem>>
      tpu.enqueue_dma source(%dma_start3A_33 : memref<120x64xf32, #tpu.memory_space<vmem>>) target(%dma_start3A_30 : memref<120x64xf32, #tpu.memory_space<vmem_shared>>) target_semaphore(%run_scoped3A : memref<!tpu.dma_semaphore, #tpu.memory_space<semaphore_mem>>)
      %dma_wait3A = arith.constant 0 : i32
      %dma_wait3A_34 = arith.constant 0 : i32
      %dma_wait3A_35 = tpu.memref_slice %arg8[%dma_wait3A, %dma_wait3A_34] : memref<128x64xf32, #tpu.memory_space<vmem>> -> memref<120x64xf32, #tpu.memory_space<vmem>>
      %dma_wait3A_36 = arith.constant 0 : i32
      %dma_wait3A_37 = tpu.memref_slice %arg10[%add3A_10, %dma_wait3A_36] : memref<10112x64xf32, #tpu.memory_space<vmem_shared>> -> memref<120x64xf32, #tpu.memory_space<vmem_shared>>
      %dma_wait3A_38 = arith.constant 0 : i32
      %dma_wait3A_39 = tpu.memref_slice %arg10[%add3A_10, %dma_wait3A_38] : memref<10112x64xf32, #tpu.memory_space<vmem_shared>> -> memref<120x64xf32, #tpu.memory_space<vmem_shared>>
      %dma_wait3A_40 = arith.constant 0 : i32
      %dma_wait3A_41 = arith.constant 0 : i32
      %dma_wait3A_42 = tpu.memref_slice %arg8[%dma_wait3A_40, %dma_wait3A_41] : memref<128x64xf32, #tpu.memory_space<vmem>> -> memref<120x64xf32, #tpu.memory_space<vmem>>
      tpu.wait_dma2 semaphore(%run_scoped3A : memref<!tpu.dma_semaphore, #tpu.memory_space<semaphore_mem>>) src(%dma_wait3A_42 : memref<120x64xf32, #tpu.memory_space<vmem>>) dst(%dma_wait3A_39 : memref<120x64xf32, #tpu.memory_space<vmem_shared>>)
      tpu.yield
    }) : () -> ()
    %mul3A_11 = arith.constant 632 : i32
    %mul3A_12 = arith.muli %arg1, %mul3A_11 : i32
    %mul3A_13 = arith.constant 632 : i32
    %mul3A_14 = arith.muli %arg1, %mul3A_13 : i32
    "tpu.region"() ({
      %run_scoped3A = tpu.sem_alloc : memref<!tpu.dma_semaphore, #tpu.memory_space<semaphore_mem>>
      %dma_start3A = arith.constant 0 : i32
      %dma_start3A_25 = tpu.memref_slice %arg9[%mul3A_14, %dma_start3A] : memref<10112x64xf32, #tpu.memory_space<vmem_shared>> -> memref<632x64xf32, #tpu.memory_space<vmem_shared>>
      %dma_start3A_26 = arith.constant 0 : i32
      %dma_start3A_27 = tpu.memref_slice %arg2[%arg0, %mul3A_12, %dma_start3A_26] : memref<2x10240x64xf32, #tpu.memory_space<hbm>> -> memref<1x632x64xf32, #tpu.memory_space<hbm>>
      %dma_start3A_28 = tpu.memref_squeeze %dma_start3A_27 : memref<1x632x64xf32, #tpu.memory_space<hbm>> -> memref<632x64xf32, #tpu.memory_space<hbm>>
      tpu.enqueue_dma source(%dma_start3A_28 : memref<632x64xf32, #tpu.memory_space<hbm>>) target(%dma_start3A_25 : memref<632x64xf32, #tpu.memory_space<vmem_shared>>) target_semaphore(%run_scoped3A : memref<!tpu.dma_semaphore, #tpu.memory_space<semaphore_mem>>)
      %dma_wait3A = arith.constant 0 : i32
      %dma_wait3A_29 = tpu.memref_slice %arg9[%mul3A_14, %dma_wait3A] : memref<10112x64xf32, #tpu.memory_space<vmem_shared>> -> memref<632x64xf32, #tpu.memory_space<vmem_shared>>
      %dma_wait3A_30 = arith.constant 0 : i32
      %dma_wait3A_31 = tpu.memref_slice %arg2[%arg0, %mul3A_12, %dma_wait3A_30] : memref<2x10240x64xf32, #tpu.memory_space<hbm>> -> memref<1x632x64xf32, #tpu.memory_space<hbm>>
      %dma_wait3A_32 = tpu.memref_squeeze %dma_wait3A_31 : memref<1x632x64xf32, #tpu.memory_space<hbm>> -> memref<632x64xf32, #tpu.memory_space<hbm>>
      tpu.wait_dma2 semaphore(%run_scoped3A : memref<!tpu.dma_semaphore, #tpu.memory_space<semaphore_mem>>) src(%dma_wait3A_32 : memref<632x64xf32, #tpu.memory_space<hbm>>) dst(%dma_wait3A_29 : memref<632x64xf32, #tpu.memory_space<vmem_shared>>)
      tpu.yield
    }) : () -> ()
    "tpu.region"() ({
      %run_scoped3A = tpu.sem_alloc : memref<!tpu.dma_semaphore, #tpu.memory_space<semaphore_mem>>
      %dma_start3A = arith.constant 0 : i32
      %dma_start3A_25 = arith.constant 0 : i32
      %dma_start3A_26 = tpu.memref_slice %arg3[%arg1, %dma_start3A, %dma_start3A_25] : memref<16x160x128xi32, #tpu.memory_space<hbm>> -> memref<1x160x128xi32, #tpu.memory_space<hbm>>
      %dma_start3A_27 = tpu.memref_squeeze %dma_start3A_26 : memref<1x160x128xi32, #tpu.memory_space<hbm>> -> memref<160x128xi32, #tpu.memory_space<hbm>>
      %dma_start3A_28 = arith.constant 0 : i32
      %dma_start3A_29 = arith.constant 0 : i32
      %dma_start3A_30 = tpu.memref_slice %arg3[%arg1, %dma_start3A_28, %dma_start3A_29] : memref<16x160x128xi32, #tpu.memory_space<hbm>> -> memref<1x160x128xi32, #tpu.memory_space<hbm>>
      %dma_start3A_31 = tpu.memref_squeeze %dma_start3A_30 : memref<1x160x128xi32, #tpu.memory_space<hbm>> -> memref<160x128xi32, #tpu.memory_space<hbm>>
      tpu.enqueue_dma source(%dma_start3A_31 : memref<160x128xi32, #tpu.memory_space<hbm>>) target(%arg6 : memref<160x128xi32, #tpu.memory_space<vmem>>) target_semaphore(%run_scoped3A : memref<!tpu.dma_semaphore, #tpu.memory_space<semaphore_mem>>)
      %dma_wait3A = arith.constant 0 : i32
      %dma_wait3A_32 = arith.constant 0 : i32
      %dma_wait3A_33 = tpu.memref_slice %arg3[%arg1, %dma_wait3A, %dma_wait3A_32] : memref<16x160x128xi32, #tpu.memory_space<hbm>> -> memref<1x160x128xi32, #tpu.memory_space<hbm>>
      %dma_wait3A_34 = tpu.memref_squeeze %dma_wait3A_33 : memref<1x160x128xi32, #tpu.memory_space<hbm>> -> memref<160x128xi32, #tpu.memory_space<hbm>>
      %dma_wait3A_35 = arith.constant 0 : i32
      %dma_wait3A_36 = arith.constant 0 : i32
      %dma_wait3A_37 = tpu.memref_slice %arg3[%arg1, %dma_wait3A_35, %dma_wait3A_36] : memref<16x160x128xi32, #tpu.memory_space<hbm>> -> memref<1x160x128xi32, #tpu.memory_space<hbm>>
      %dma_wait3A_38 = tpu.memref_squeeze %dma_wait3A_37 : memref<1x160x128xi32, #tpu.memory_space<hbm>> -> memref<160x128xi32, #tpu.memory_space<hbm>>
      tpu.wait_dma2 semaphore(%run_scoped3A : memref<!tpu.dma_semaphore, #tpu.memory_space<semaphore_mem>>) src(%dma_wait3A_38 : memref<160x128xi32, #tpu.memory_space<hbm>>) dst(%arg6 : memref<160x128xi32, #tpu.memory_space<vmem>>)
      tpu.yield
    }) : () -> ()
    "tpu.region"() ({
      %run_scoped3A = tpu.sem_alloc : memref<!tpu.dma_semaphore, #tpu.memory_space<semaphore_mem>>
      %dma_start3A = arith.constant 0 : i32
      %dma_start3A_25 = arith.constant 0 : i32
      %dma_start3A_26 = tpu.memref_slice %arg4[%arg1, %dma_start3A, %dma_start3A_25] : memref<16x160x128xi32, #tpu.memory_space<hbm>> -> memref<1x160x128xi32, #tpu.memory_space<hbm>>
      %dma_start3A_27 = tpu.memref_squeeze %dma_start3A_26 : memref<1x160x128xi32, #tpu.memory_space<hbm>> -> memref<160x128xi32, #tpu.memory_space<hbm>>
      %dma_start3A_28 = arith.constant 0 : i32
      %dma_start3A_29 = arith.constant 0 : i32
      %dma_start3A_30 = tpu.memref_slice %arg4[%arg1, %dma_start3A_28, %dma_start3A_29] : memref<16x160x128xi32, #tpu.memory_space<hbm>> -> memref<1x160x128xi32, #tpu.memory_space<hbm>>
      %dma_start3A_31 = tpu.memref_squeeze %dma_start3A_30 : memref<1x160x128xi32, #tpu.memory_space<hbm>> -> memref<160x128xi32, #tpu.memory_space<hbm>>
      tpu.enqueue_dma source(%dma_start3A_31 : memref<160x128xi32, #tpu.memory_space<hbm>>) target(%arg7 : memref<160x128xi32, #tpu.memory_space<vmem>>) target_semaphore(%run_scoped3A : memref<!tpu.dma_semaphore, #tpu.memory_space<semaphore_mem>>)
      %dma_wait3A = arith.constant 0 : i32
      %dma_wait3A_32 = arith.constant 0 : i32
      %dma_wait3A_33 = tpu.memref_slice %arg4[%arg1, %dma_wait3A, %dma_wait3A_32] : memref<16x160x128xi32, #tpu.memory_space<hbm>> -> memref<1x160x128xi32, #tpu.memory_space<hbm>>
      %dma_wait3A_34 = tpu.memref_squeeze %dma_wait3A_33 : memref<1x160x128xi32, #tpu.memory_space<hbm>> -> memref<160x128xi32, #tpu.memory_space<hbm>>
      %dma_wait3A_35 = arith.constant 0 : i32
      %dma_wait3A_36 = arith.constant 0 : i32
      %dma_wait3A_37 = tpu.memref_slice %arg4[%arg1, %dma_wait3A_35, %dma_wait3A_36] : memref<16x160x128xi32, #tpu.memory_space<hbm>> -> memref<1x160x128xi32, #tpu.memory_space<hbm>>
      %dma_wait3A_38 = tpu.memref_squeeze %dma_wait3A_37 : memref<1x160x128xi32, #tpu.memory_space<hbm>> -> memref<160x128xi32, #tpu.memory_space<hbm>>
      tpu.wait_dma2 semaphore(%run_scoped3A : memref<!tpu.dma_semaphore, #tpu.memory_space<semaphore_mem>>) src(%dma_wait3A_38 : memref<160x128xi32, #tpu.memory_space<hbm>>) dst(%arg7 : memref<160x128xi32, #tpu.memory_space<vmem>>)
      tpu.yield
    }) : () -> ()
    %barrier3A = arith.constant 0 : index
    tpu.barrier barrier_id(%barrier3A)
    %scan3A_15 = arith.constant 0 : i32
    %scan3A_16 = arith.constant 160 : i32
    %scan3A_17 = arith.addi %scan3A_15, %scan3A_16 : i32
    %scan3A_18 = arith.constant 1 : i32
    scf.for %scan3A_25 = %scan3A_15 to %scan3A_17 step %scan3A_18  : i32 {
      %mul3A_26 = arith.constant 1 : i32
      %mul3A_27 = arith.muli %scan3A_25, %mul3A_26 : i32
      %add3A_28 = arith.constant 0 : i32
      %add3A_29 = arith.addi %add3A_28, %mul3A_27 : i32
      "tpu.region"() ({
        %run_scoped3A = tpu.sem_alloc : memref<!tpu.dma_semaphore, #tpu.memory_space<semaphore_mem>>
        %dma_start3A = arith.constant 0 : i32
        %dma_start3A_30 = tpu.memref_slice %arg6[%add3A_29, %dma_start3A] : memref<160x128xi32, #tpu.memory_space<vmem>> -> memref<1x128xi32, #tpu.memory_space<vmem>>
        %dma_start3A_31 = tpu.memref_squeeze %dma_start3A_30 : memref<1x128xi32, #tpu.memory_space<vmem>> -> memref<128xi32, #tpu.memory_space<vmem>>
        %dma_start3A_32 = arith.constant 0 : i32
        %dma_start3A_33 = arith.constant 0 : i32
        %dma_start3A_34 = tpu.memref_slice %arg9[%dma_start3A_32, %dma_start3A_33] : memref<10112x64xf32, #tpu.memory_space<vmem_shared>> -> memref<10112x64xf32, #tpu.memory_space<vmem_shared>>
        tpu.enqueue_indirect_dma source(%dma_start3A_34 : memref<10112x64xf32, #tpu.memory_space<vmem_shared>>) target(%arg8 : memref<128x64xf32, #tpu.memory_space<vmem>>) offsets(%dma_start3A_31 : memref<128xi32, #tpu.memory_space<vmem>>) semaphore(%run_scoped3A : memref<!tpu.dma_semaphore, #tpu.memory_space<semaphore_mem>>)
        %dma_wait3A = arith.constant 0 : i32
        %dma_wait3A_35 = tpu.memref_slice %arg6[%add3A_29, %dma_wait3A] : memref<160x128xi32, #tpu.memory_space<vmem>> -> memref<1x128xi32, #tpu.memory_space<vmem>>
        %dma_wait3A_36 = tpu.memref_squeeze %dma_wait3A_35 : memref<1x128xi32, #tpu.memory_space<vmem>> -> memref<128xi32, #tpu.memory_space<vmem>>
        %dma_wait3A_37 = arith.constant 0 : i32
        %dma_wait3A_38 = arith.constant 0 : i32
        %dma_wait3A_39 = tpu.memref_slice %arg9[%dma_wait3A_37, %dma_wait3A_38] : memref<10112x64xf32, #tpu.memory_space<vmem_shared>> -> memref<10112x64xf32, #tpu.memory_space<vmem_shared>>
        tpu.wait_indirect_dma semaphore(%run_scoped3A : memref<!tpu.dma_semaphore, #tpu.memory_space<semaphore_mem>>) src(%dma_wait3A_39 : memref<10112x64xf32, #tpu.memory_space<vmem_shared>>) dst(%arg8 : memref<128x64xf32, #tpu.memory_space<vmem>>)
        tpu.yield
      }) : () -> ()
      "tpu.region"() ({
        %run_scoped3A = tpu.sem_alloc : memref<!tpu.dma_semaphore, #tpu.memory_space<semaphore_mem>>
        %dma_start3A = arith.constant 0 : i32
        %dma_start3A_30 = tpu.memref_slice %arg7[%add3A_29, %dma_start3A] : memref<160x128xi32, #tpu.memory_space<vmem>> -> memref<1x128xi32, #tpu.memory_space<vmem>>
        %dma_start3A_31 = tpu.memref_squeeze %dma_start3A_30 : memref<1x128xi32, #tpu.memory_space<vmem>> -> memref<128xi32, #tpu.memory_space<vmem>>
        %dma_start3A_32 = arith.constant 0 : i32
        %dma_start3A_33 = arith.constant 0 : i32
        %dma_start3A_34 = tpu.memref_slice %arg10[%dma_start3A_32, %dma_start3A_33] : memref<10112x64xf32, #tpu.memory_space<vmem_shared>> -> memref<10112x64xf32, #tpu.memory_space<vmem_shared>>
        tpu.enqueue_indirect_dma source(%arg8 : memref<128x64xf32, #tpu.memory_space<vmem>>) target(%dma_start3A_34 : memref<10112x64xf32, #tpu.memory_space<vmem_shared>>) offsets(%dma_start3A_31 : memref<128xi32, #tpu.memory_space<vmem>>) semaphore(%run_scoped3A : memref<!tpu.dma_semaphore, #tpu.memory_space<semaphore_mem>>) {add = true}
        %dma_wait3A = arith.constant 0 : i32
        %dma_wait3A_35 = tpu.memref_slice %arg7[%add3A_29, %dma_wait3A] : memref<160x128xi32, #tpu.memory_space<vmem>> -> memref<1x128xi32, #tpu.memory_space<vmem>>
        %dma_wait3A_36 = tpu.memref_squeeze %dma_wait3A_35 : memref<1x128xi32, #tpu.memory_space<vmem>> -> memref<128xi32, #tpu.memory_space<vmem>>
        %dma_wait3A_37 = arith.constant 0 : i32
        %dma_wait3A_38 = arith.constant 0 : i32
        %dma_wait3A_39 = tpu.memref_slice %arg10[%dma_wait3A_37, %dma_wait3A_38] : memref<10112x64xf32, #tpu.memory_space<vmem_shared>> -> memref<10112x64xf32, #tpu.memory_space<vmem_shared>>
        tpu.wait_indirect_dma semaphore(%run_scoped3A : memref<!tpu.dma_semaphore, #tpu.memory_space<semaphore_mem>>) src(%arg8 : memref<128x64xf32, #tpu.memory_space<vmem>>) dst(%dma_wait3A_39 : memref<10112x64xf32, #tpu.memory_space<vmem_shared>>)
        tpu.yield
      }) : () -> ()
    }
    %scan3A_19 = arith.constant 160 : i32
    %barrier3A_20 = arith.constant 0 : index
    tpu.barrier barrier_id(%barrier3A_20)
    %mul3A_21 = arith.constant 632 : i32
    %mul3A_22 = arith.muli %arg1, %mul3A_21 : i32
    %mul3A_23 = arith.constant 632 : i32
    %mul3A_24 = arith.muli %arg1, %mul3A_23 : i32
    "tpu.region"() ({
      %run_scoped3A = tpu.sem_alloc : memref<!tpu.dma_semaphore, #tpu.memory_space<semaphore_mem>>
      %dma_start3A = arith.constant 0 : i32
      %dma_start3A_25 = tpu.memref_slice %arg5[%arg0, %mul3A_24, %dma_start3A] : memref<2x10240x64xf32, #tpu.memory_space<hbm>> -> memref<1x632x64xf32, #tpu.memory_space<hbm>>
      %dma_start3A_26 = tpu.memref_squeeze %dma_start3A_25 : memref<1x632x64xf32, #tpu.memory_space<hbm>> -> memref<632x64xf32, #tpu.memory_space<hbm>>
      %dma_start3A_27 = arith.constant 0 : i32
      %dma_start3A_28 = tpu.memref_slice %arg10[%mul3A_22, %dma_start3A_27] : memref<10112x64xf32, #tpu.memory_space<vmem_shared>> -> memref<632x64xf32, #tpu.memory_space<vmem_shared>>
      tpu.enqueue_dma source(%dma_start3A_28 : memref<632x64xf32, #tpu.memory_space<vmem_shared>>) target(%dma_start3A_26 : memref<632x64xf32, #tpu.memory_space<hbm>>) target_semaphore(%run_scoped3A : memref<!tpu.dma_semaphore, #tpu.memory_space<semaphore_mem>>)
      %dma_wait3A = arith.constant 0 : i32
      %dma_wait3A_29 = tpu.memref_slice %arg5[%arg0, %mul3A_24, %dma_wait3A] : memref<2x10240x64xf32, #tpu.memory_space<hbm>> -> memref<1x632x64xf32, #tpu.memory_space<hbm>>
      %dma_wait3A_30 = tpu.memref_squeeze %dma_wait3A_29 : memref<1x632x64xf32, #tpu.memory_space<hbm>> -> memref<632x64xf32, #tpu.memory_space<hbm>>
      %dma_wait3A_31 = arith.constant 0 : i32
      %dma_wait3A_32 = tpu.memref_slice %arg10[%mul3A_22, %dma_wait3A_31] : memref<10112x64xf32, #tpu.memory_space<vmem_shared>> -> memref<632x64xf32, #tpu.memory_space<vmem_shared>>
      tpu.wait_dma2 semaphore(%run_scoped3A : memref<!tpu.dma_semaphore, #tpu.memory_space<semaphore_mem>>) src(%dma_wait3A_32 : memref<632x64xf32, #tpu.memory_space<vmem_shared>>) dst(%dma_wait3A_30 : memref<632x64xf32, #tpu.memory_space<hbm>>)
      tpu.yield
    }) : () -> ()
    return
  }
}

#map = affine_map<(d0, d1) -> (0, 0, 0)>
module attributes {stable_mosaic.version = 14 : i64} {
  func.func @_agg_body(%arg0: i32, %arg1: i32, %arg2: memref<2x10240x64xf32, #tpu.memory_space<hbm>>, %arg3: memref<16x160x128xi32, #tpu.memory_space<hbm>>, %arg4: memref<16x160x128xi32, #tpu.memory_space<hbm>>, %arg5: memref<2x10240x64xf32, #tpu.memory_space<hbm>>, %arg6: memref<160x128xi32, #tpu.memory_space<vmem>>, %arg7: memref<160x128xi32, #tpu.memory_space<vmem>>, %arg8: memref<128x64xf32, #tpu.memory_space<vmem>>, %arg9: memref<10112x64xf32, #tpu.memory_space<vmem_shared>>, %arg10: memref<10112x64xf32, #tpu.memory_space<vmem_shared>>) attributes {dimension_semantics = [#tpu.dimension_semantics<core_parallel>, #tpu.dimension_semantics<subcore_parallel>], iteration_bounds = array<i64: 2, 16>, scalar_prefetch = 0 : i64, scratch_operands = 5 : i64, tpu.core_type = #tpu.core_type<sc_vector_subcore>, window_params = [{transform_indices = #map}, {transform_indices = #map}, {transform_indices = #map}, {transform_indices = #map}]} {
    %scan3A = arith.constant 0 : i32
    %scan3A_0 = arith.constant 128 : i32
    %scan3A_1 = arith.addi %scan3A, %scan3A_0 : i32
    %scan3A_2 = arith.constant 1 : i32
    scf.for %scan3A_25 = %scan3A to %scan3A_1 step %scan3A_2  : i32 {
      %mul3A_26 = arith.constant 1 : i32
      %mul3A_27 = arith.muli %scan3A_25, %mul3A_26 : i32
      %add3A_28 = arith.constant 0 : i32
      %add3A_29 = arith.addi %add3A_28, %mul3A_27 : i32
      %scan3A_30 = arith.constant 0 : i32
      %scan3A_31 = arith.constant 4 : i32
      %scan3A_32 = arith.addi %scan3A_30, %scan3A_31 : i32
      %scan3A_33 = arith.constant 1 : i32
      scf.for %scan3A_35 = %scan3A_30 to %scan3A_32 step %scan3A_33  : i32 {
        %mul3A_36 = arith.constant 16 : i32
        %mul3A_37 = arith.muli %scan3A_35, %mul3A_36 : i32
        %add3A_38 = arith.constant 0 : i32
        %add3A_39 = arith.addi %add3A_38, %mul3A_37 : i32
        %broadcast_in_dim3A = arith.constant 0.000000e+00 : f32
        %broadcast_in_dim3A_40 = vector.broadcast %broadcast_in_dim3A : f32 to vector<16xf32>
        %swap3A = arith.index_cast %add3A_29 : i32 to index
        %swap3A_41 = arith.index_cast %add3A_39 : i32 to index
        %swap3A_42 = tpu.vector_load %arg8[%swap3A, %swap3A_41] {strides = array<i32>} : memref<128x64xf32, #tpu.memory_space<vmem>>, vector<16xf32>,
        tpu.vector_store %arg8[%swap3A, %swap3A_41], %broadcast_in_dim3A_40 {strides = array<i32>} : memref<128x64xf32, #tpu.memory_space<vmem>>, vector<16xf32>,
      }
      %scan3A_34 = arith.constant 4 : i32
    }
    %scan3A_3 = arith.constant 128 : i32
    %scan3A_4 = arith.constant 0 : i32
    %scan3A_5 = arith.constant 4 : i32
    %scan3A_6 = arith.addi %scan3A_4, %scan3A_5 : i32
    %scan3A_7 = arith.constant 1 : i32
    scf.for %scan3A_25 = %scan3A_4 to %scan3A_6 step %scan3A_7  : i32 {
      %mul3A_26 = arith.constant 128 : i32
      %mul3A_27 = arith.muli %scan3A_25, %mul3A_26 : i32
      %add3A_28 = arith.constant 0 : i32
      %add3A_29 = arith.addi %add3A_28, %mul3A_27 : i32
      %mul3A_30 = arith.constant 632 : i32
      %mul3A_31 = arith.muli %arg1, %mul3A_30 : i32
      %add3A_32 = arith.addi %mul3A_31, %add3A_29 : i32
      "tpu.region"() ({
        %run_scoped3A = tpu.sem_alloc : memref<!tpu.dma_semaphore, #tpu.memory_space<semaphore_mem>>
        %dma_start3A = arith.constant 0 : i32
        %dma_start3A_33 = tpu.memref_slice %arg10[%add3A_32, %dma_start3A] : memref<10112x64xf32, #tpu.memory_space<vmem_shared>> -> memref<128x64xf32, #tpu.memory_space<vmem_shared>>
        %dma_start3A_34 = arith.constant 0 : i32
        %dma_start3A_35 = tpu.memref_slice %arg10[%add3A_32, %dma_start3A_34] : memref<10112x64xf32, #tpu.memory_space<vmem_shared>> -> memref<128x64xf32, #tpu.memory_space<vmem_shared>>
        tpu.enqueue_dma source(%arg8 : memref<128x64xf32, #tpu.memory_space<vmem>>) target(%dma_start3A_35 : memref<128x64xf32, #tpu.memory_space<vmem_shared>>) target_semaphore(%run_scoped3A : memref<!tpu.dma_semaphore, #tpu.memory_space<semaphore_mem>>)
        %dma_wait3A = arith.constant 0 : i32
        %dma_wait3A_36 = tpu.memref_slice %arg10[%add3A_32, %dma_wait3A] : memref<10112x64xf32, #tpu.memory_space<vmem_shared>> -> memref<128x64xf32, #tpu.memory_space<vmem_shared>>
        %dma_wait3A_37 = arith.constant 0 : i32
        %dma_wait3A_38 = tpu.memref_slice %arg10[%add3A_32, %dma_wait3A_37] : memref<10112x64xf32, #tpu.memory_space<vmem_shared>> -> memref<128x64xf32, #tpu.memory_space<vmem_shared>>
        tpu.wait_dma2 semaphore(%run_scoped3A : memref<!tpu.dma_semaphore, #tpu.memory_space<semaphore_mem>>) src(%arg8 : memref<128x64xf32, #tpu.memory_space<vmem>>) dst(%dma_wait3A_38 : memref<128x64xf32, #tpu.memory_space<vmem_shared>>)
        tpu.yield
      }) : () -> ()
    }
    %scan3A_8 = arith.constant 4 : i32
    %mul3A = arith.constant 632 : i32
    %mul3A_9 = arith.muli %arg1, %mul3A : i32
    %add3A = arith.constant 512 : i32
    %add3A_10 = arith.addi %mul3A_9, %add3A : i32
    "tpu.region"() ({
      %run_scoped3A = tpu.sem_alloc : memref<!tpu.dma_semaphore, #tpu.memory_space<semaphore_mem>>
      %dma_start3A = arith.constant 0 : i32
      %dma_start3A_25 = arith.constant 0 : i32
      %dma_start3A_26 = tpu.memref_slice %arg8[%dma_start3A, %dma_start3A_25] : memref<128x64xf32, #tpu.memory_space<vmem>> -> memref<120x64xf32, #tpu.memory_space<vmem>>
      %dma_start3A_27 = arith.constant 0 : i32
      %dma_start3A_28 = tpu.memref_slice %arg10[%add3A_10, %dma_start3A_27] : memref<10112x64xf32, #tpu.memory_space<vmem_shared>> -> memref<120x64xf32, #tpu.memory_space<vmem_shared>>
      %dma_start3A_29 = arith.constant 0 : i32
      %dma_start3A_30 = tpu.memref_slice %arg10[%add3A_10, %dma_start3A_29] : memref<10112x64xf32, #tpu.memory_space<vmem_shared>> -> memref<120x64xf32, #tpu.memory_space<vmem_shared>>
      %dma_start3A_31 = arith.constant 0 : i32
      %dma_start3A_32 = arith.constant 0 : i32
      %dma_start3A_33 = tpu.memref_slice %arg8[%dma_start3A_31, %dma_start3A_32] : memref<128x64xf32, #tpu.memory_space<vmem>> -> memref<120x64xf32, #tpu.memory_space<vmem>>
      tpu.enqueue_dma source(%dma_start3A_33 : memref<120x64xf32, #tpu.memory_space<vmem>>) target(%dma_start3A_30 : memref<120x64xf32, #tpu.memory_space<vmem_shared>>) target_semaphore(%run_scoped3A : memref<!tpu.dma_semaphore, #tpu.memory_space<semaphore_mem>>)
      %dma_wait3A = arith.constant 0 : i32
      %dma_wait3A_34 = arith.constant 0 : i32
      %dma_wait3A_35 = tpu.memref_slice %arg8[%dma_wait3A, %dma_wait3A_34] : memref<128x64xf32, #tpu.memory_space<vmem>> -> memref<120x64xf32, #tpu.memory_space<vmem>>
      %dma_wait3A_36 = arith.constant 0 : i32
      %dma_wait3A_37 = tpu.memref_slice %arg10[%add3A_10, %dma_wait3A_36] : memref<10112x64xf32, #tpu.memory_space<vmem_shared>> -> memref<120x64xf32, #tpu.memory_space<vmem_shared>>
      %dma_wait3A_38 = arith.constant 0 : i32
      %dma_wait3A_39 = tpu.memref_slice %arg10[%add3A_10, %dma_wait3A_38] : memref<10112x64xf32, #tpu.memory_space<vmem_shared>> -> memref<120x64xf32, #tpu.memory_space<vmem_shared>>
      %dma_wait3A_40 = arith.constant 0 : i32
      %dma_wait3A_41 = arith.constant 0 : i32
      %dma_wait3A_42 = tpu.memref_slice %arg8[%dma_wait3A_40, %dma_wait3A_41] : memref<128x64xf32, #tpu.memory_space<vmem>> -> memref<120x64xf32, #tpu.memory_space<vmem>>
      tpu.wait_dma2 semaphore(%run_scoped3A : memref<!tpu.dma_semaphore, #tpu.memory_space<semaphore_mem>>) src(%dma_wait3A_42 : memref<120x64xf32, #tpu.memory_space<vmem>>) dst(%dma_wait3A_39 : memref<120x64xf32, #tpu.memory_space<vmem_shared>>)
      tpu.yield
    }) : () -> ()
    %mul3A_11 = arith.constant 632 : i32
    %mul3A_12 = arith.muli %arg1, %mul3A_11 : i32
    %mul3A_13 = arith.constant 632 : i32
    %mul3A_14 = arith.muli %arg1, %mul3A_13 : i32
    "tpu.region"() ({
      %run_scoped3A = tpu.sem_alloc : memref<!tpu.dma_semaphore, #tpu.memory_space<semaphore_mem>>
      %dma_start3A = arith.constant 0 : i32
      %dma_start3A_25 = tpu.memref_slice %arg9[%mul3A_14, %dma_start3A] : memref<10112x64xf32, #tpu.memory_space<vmem_shared>> -> memref<632x64xf32, #tpu.memory_space<vmem_shared>>
      %dma_start3A_26 = arith.constant 0 : i32
      %dma_start3A_27 = tpu.memref_slice %arg2[%arg0, %mul3A_12, %dma_start3A_26] : memref<2x10240x64xf32, #tpu.memory_space<hbm>> -> memref<1x632x64xf32, #tpu.memory_space<hbm>>
      %dma_start3A_28 = tpu.memref_squeeze %dma_start3A_27 : memref<1x632x64xf32, #tpu.memory_space<hbm>> -> memref<632x64xf32, #tpu.memory_space<hbm>>
      tpu.enqueue_dma source(%dma_start3A_28 : memref<632x64xf32, #tpu.memory_space<hbm>>) target(%dma_start3A_25 : memref<632x64xf32, #tpu.memory_space<vmem_shared>>) target_semaphore(%run_scoped3A : memref<!tpu.dma_semaphore, #tpu.memory_space<semaphore_mem>>)
      %dma_wait3A = arith.constant 0 : i32
      %dma_wait3A_29 = tpu.memref_slice %arg9[%mul3A_14, %dma_wait3A] : memref<10112x64xf32, #tpu.memory_space<vmem_shared>> -> memref<632x64xf32, #tpu.memory_space<vmem_shared>>
      %dma_wait3A_30 = arith.constant 0 : i32
      %dma_wait3A_31 = tpu.memref_slice %arg2[%arg0, %mul3A_12, %dma_wait3A_30] : memref<2x10240x64xf32, #tpu.memory_space<hbm>> -> memref<1x632x64xf32, #tpu.memory_space<hbm>>
      %dma_wait3A_32 = tpu.memref_squeeze %dma_wait3A_31 : memref<1x632x64xf32, #tpu.memory_space<hbm>> -> memref<632x64xf32, #tpu.memory_space<hbm>>
      tpu.wait_dma2 semaphore(%run_scoped3A : memref<!tpu.dma_semaphore, #tpu.memory_space<semaphore_mem>>) src(%dma_wait3A_32 : memref<632x64xf32, #tpu.memory_space<hbm>>) dst(%dma_wait3A_29 : memref<632x64xf32, #tpu.memory_space<vmem_shared>>)
      tpu.yield
    }) : () -> ()
    "tpu.region"() ({
      %run_scoped3A = tpu.sem_alloc : memref<!tpu.dma_semaphore, #tpu.memory_space<semaphore_mem>>
      %dma_start3A = arith.constant 0 : i32
      %dma_start3A_25 = arith.constant 0 : i32
      %dma_start3A_26 = tpu.memref_slice %arg3[%arg1, %dma_start3A, %dma_start3A_25] : memref<16x160x128xi32, #tpu.memory_space<hbm>> -> memref<1x160x128xi32, #tpu.memory_space<hbm>>
      %dma_start3A_27 = tpu.memref_squeeze %dma_start3A_26 : memref<1x160x128xi32, #tpu.memory_space<hbm>> -> memref<160x128xi32, #tpu.memory_space<hbm>>
      %dma_start3A_28 = arith.constant 0 : i32
      %dma_start3A_29 = arith.constant 0 : i32
      %dma_start3A_30 = tpu.memref_slice %arg3[%arg1, %dma_start3A_28, %dma_start3A_29] : memref<16x160x128xi32, #tpu.memory_space<hbm>> -> memref<1x160x128xi32, #tpu.memory_space<hbm>>
      %dma_start3A_31 = tpu.memref_squeeze %dma_start3A_30 : memref<1x160x128xi32, #tpu.memory_space<hbm>> -> memref<160x128xi32, #tpu.memory_space<hbm>>
      tpu.enqueue_dma source(%dma_start3A_31 : memref<160x128xi32, #tpu.memory_space<hbm>>) target(%arg6 : memref<160x128xi32, #tpu.memory_space<vmem>>) target_semaphore(%run_scoped3A : memref<!tpu.dma_semaphore, #tpu.memory_space<semaphore_mem>>)
      %dma_wait3A = arith.constant 0 : i32
      %dma_wait3A_32 = arith.constant 0 : i32
      %dma_wait3A_33 = tpu.memref_slice %arg3[%arg1, %dma_wait3A, %dma_wait3A_32] : memref<16x160x128xi32, #tpu.memory_space<hbm>> -> memref<1x160x128xi32, #tpu.memory_space<hbm>>
      %dma_wait3A_34 = tpu.memref_squeeze %dma_wait3A_33 : memref<1x160x128xi32, #tpu.memory_space<hbm>> -> memref<160x128xi32, #tpu.memory_space<hbm>>
      %dma_wait3A_35 = arith.constant 0 : i32
      %dma_wait3A_36 = arith.constant 0 : i32
      %dma_wait3A_37 = tpu.memref_slice %arg3[%arg1, %dma_wait3A_35, %dma_wait3A_36] : memref<16x160x128xi32, #tpu.memory_space<hbm>> -> memref<1x160x128xi32, #tpu.memory_space<hbm>>
      %dma_wait3A_38 = tpu.memref_squeeze %dma_wait3A_37 : memref<1x160x128xi32, #tpu.memory_space<hbm>> -> memref<160x128xi32, #tpu.memory_space<hbm>>
      tpu.wait_dma2 semaphore(%run_scoped3A : memref<!tpu.dma_semaphore, #tpu.memory_space<semaphore_mem>>) src(%dma_wait3A_38 : memref<160x128xi32, #tpu.memory_space<hbm>>) dst(%arg6 : memref<160x128xi32, #tpu.memory_space<vmem>>)
      tpu.yield
    }) : () -> ()
    "tpu.region"() ({
      %run_scoped3A = tpu.sem_alloc : memref<!tpu.dma_semaphore, #tpu.memory_space<semaphore_mem>>
      %dma_start3A = arith.constant 0 : i32
      %dma_start3A_25 = arith.constant 0 : i32
      %dma_start3A_26 = tpu.memref_slice %arg4[%arg1, %dma_start3A, %dma_start3A_25] : memref<16x160x128xi32, #tpu.memory_space<hbm>> -> memref<1x160x128xi32, #tpu.memory_space<hbm>>
      %dma_start3A_27 = tpu.memref_squeeze %dma_start3A_26 : memref<1x160x128xi32, #tpu.memory_space<hbm>> -> memref<160x128xi32, #tpu.memory_space<hbm>>
      %dma_start3A_28 = arith.constant 0 : i32
      %dma_start3A_29 = arith.constant 0 : i32
      %dma_start3A_30 = tpu.memref_slice %arg4[%arg1, %dma_start3A_28, %dma_start3A_29] : memref<16x160x128xi32, #tpu.memory_space<hbm>> -> memref<1x160x128xi32, #tpu.memory_space<hbm>>
      %dma_start3A_31 = tpu.memref_squeeze %dma_start3A_30 : memref<1x160x128xi32, #tpu.memory_space<hbm>> -> memref<160x128xi32, #tpu.memory_space<hbm>>
      tpu.enqueue_dma source(%dma_start3A_31 : memref<160x128xi32, #tpu.memory_space<hbm>>) target(%arg7 : memref<160x128xi32, #tpu.memory_space<vmem>>) target_semaphore(%run_scoped3A : memref<!tpu.dma_semaphore, #tpu.memory_space<semaphore_mem>>)
      %dma_wait3A = arith.constant 0 : i32
      %dma_wait3A_32 = arith.constant 0 : i32
      %dma_wait3A_33 = tpu.memref_slice %arg4[%arg1, %dma_wait3A, %dma_wait3A_32] : memref<16x160x128xi32, #tpu.memory_space<hbm>> -> memref<1x160x128xi32, #tpu.memory_space<hbm>>
      %dma_wait3A_34 = tpu.memref_squeeze %dma_wait3A_33 : memref<1x160x128xi32, #tpu.memory_space<hbm>> -> memref<160x128xi32, #tpu.memory_space<hbm>>
      %dma_wait3A_35 = arith.constant 0 : i32
      %dma_wait3A_36 = arith.constant 0 : i32
      %dma_wait3A_37 = tpu.memref_slice %arg4[%arg1, %dma_wait3A_35, %dma_wait3A_36] : memref<16x160x128xi32, #tpu.memory_space<hbm>> -> memref<1x160x128xi32, #tpu.memory_space<hbm>>
      %dma_wait3A_38 = tpu.memref_squeeze %dma_wait3A_37 : memref<1x160x128xi32, #tpu.memory_space<hbm>> -> memref<160x128xi32, #tpu.memory_space<hbm>>
      tpu.wait_dma2 semaphore(%run_scoped3A : memref<!tpu.dma_semaphore, #tpu.memory_space<semaphore_mem>>) src(%dma_wait3A_38 : memref<160x128xi32, #tpu.memory_space<hbm>>) dst(%arg7 : memref<160x128xi32, #tpu.memory_space<vmem>>)
      tpu.yield
    }) : () -> ()
    %barrier3A = arith.constant 0 : index
    tpu.barrier barrier_id(%barrier3A)
    %scan3A_15 = arith.constant 0 : i32
    %scan3A_16 = arith.constant 160 : i32
    %scan3A_17 = arith.addi %scan3A_15, %scan3A_16 : i32
    %scan3A_18 = arith.constant 1 : i32
    scf.for %scan3A_25 = %scan3A_15 to %scan3A_17 step %scan3A_18  : i32 {
      %mul3A_26 = arith.constant 1 : i32
      %mul3A_27 = arith.muli %scan3A_25, %mul3A_26 : i32
      %add3A_28 = arith.constant 0 : i32
      %add3A_29 = arith.addi %add3A_28, %mul3A_27 : i32
      "tpu.region"() ({
        %run_scoped3A = tpu.sem_alloc : memref<!tpu.dma_semaphore, #tpu.memory_space<semaphore_mem>>
        %dma_start3A = arith.constant 0 : i32
        %dma_start3A_30 = tpu.memref_slice %arg6[%add3A_29, %dma_start3A] : memref<160x128xi32, #tpu.memory_space<vmem>> -> memref<1x128xi32, #tpu.memory_space<vmem>>
        %dma_start3A_31 = tpu.memref_squeeze %dma_start3A_30 : memref<1x128xi32, #tpu.memory_space<vmem>> -> memref<128xi32, #tpu.memory_space<vmem>>
        %dma_start3A_32 = arith.constant 0 : i32
        %dma_start3A_33 = arith.constant 0 : i32
        %dma_start3A_34 = tpu.memref_slice %arg9[%dma_start3A_32, %dma_start3A_33] : memref<10112x64xf32, #tpu.memory_space<vmem_shared>> -> memref<10112x64xf32, #tpu.memory_space<vmem_shared>>
        tpu.enqueue_indirect_dma source(%dma_start3A_34 : memref<10112x64xf32, #tpu.memory_space<vmem_shared>>) target(%arg8 : memref<128x64xf32, #tpu.memory_space<vmem>>) offsets(%dma_start3A_31 : memref<128xi32, #tpu.memory_space<vmem>>) semaphore(%run_scoped3A : memref<!tpu.dma_semaphore, #tpu.memory_space<semaphore_mem>>)
        %dma_wait3A = arith.constant 0 : i32
        %dma_wait3A_35 = tpu.memref_slice %arg6[%add3A_29, %dma_wait3A] : memref<160x128xi32, #tpu.memory_space<vmem>> -> memref<1x128xi32, #tpu.memory_space<vmem>>
        %dma_wait3A_36 = tpu.memref_squeeze %dma_wait3A_35 : memref<1x128xi32, #tpu.memory_space<vmem>> -> memref<128xi32, #tpu.memory_space<vmem>>
        %dma_wait3A_37 = arith.constant 0 : i32
        %dma_wait3A_38 = arith.constant 0 : i32
        %dma_wait3A_39 = tpu.memref_slice %arg9[%dma_wait3A_37, %dma_wait3A_38] : memref<10112x64xf32, #tpu.memory_space<vmem_shared>> -> memref<10112x64xf32, #tpu.memory_space<vmem_shared>>
        tpu.wait_indirect_dma semaphore(%run_scoped3A : memref<!tpu.dma_semaphore, #tpu.memory_space<semaphore_mem>>) src(%dma_wait3A_39 : memref<10112x64xf32, #tpu.memory_space<vmem_shared>>) dst(%arg8 : memref<128x64xf32, #tpu.memory_space<vmem>>)
        tpu.yield
      }) : () -> ()
      "tpu.region"() ({
        %run_scoped3A = tpu.sem_alloc : memref<!tpu.dma_semaphore, #tpu.memory_space<semaphore_mem>>
        %dma_start3A = arith.constant 0 : i32
        %dma_start3A_30 = tpu.memref_slice %arg7[%add3A_29, %dma_start3A] : memref<160x128xi32, #tpu.memory_space<vmem>> -> memref<1x128xi32, #tpu.memory_space<vmem>>
        %dma_start3A_31 = tpu.memref_squeeze %dma_start3A_30 : memref<1x128xi32, #tpu.memory_space<vmem>> -> memref<128xi32, #tpu.memory_space<vmem>>
        %dma_start3A_32 = arith.constant 0 : i32
        %dma_start3A_33 = arith.constant 0 : i32
        %dma_start3A_34 = tpu.memref_slice %arg10[%dma_start3A_32, %dma_start3A_33] : memref<10112x64xf32, #tpu.memory_space<vmem_shared>> -> memref<10112x64xf32, #tpu.memory_space<vmem_shared>>
        tpu.enqueue_indirect_dma source(%arg8 : memref<128x64xf32, #tpu.memory_space<vmem>>) target(%dma_start3A_34 : memref<10112x64xf32, #tpu.memory_space<vmem_shared>>) offsets(%dma_start3A_31 : memref<128xi32, #tpu.memory_space<vmem>>) semaphore(%run_scoped3A : memref<!tpu.dma_semaphore, #tpu.memory_space<semaphore_mem>>) {add = true}
        %dma_wait3A = arith.constant 0 : i32
        %dma_wait3A_35 = tpu.memref_slice %arg7[%add3A_29, %dma_wait3A] : memref<160x128xi32, #tpu.memory_space<vmem>> -> memref<1x128xi32, #tpu.memory_space<vmem>>
        %dma_wait3A_36 = tpu.memref_squeeze %dma_wait3A_35 : memref<1x128xi32, #tpu.memory_space<vmem>> -> memref<128xi32, #tpu.memory_space<vmem>>
        %dma_wait3A_37 = arith.constant 0 : i32
        %dma_wait3A_38 = arith.constant 0 : i32
        %dma_wait3A_39 = tpu.memref_slice %arg10[%dma_wait3A_37, %dma_wait3A_38] : memref<10112x64xf32, #tpu.memory_space<vmem_shared>> -> memref<10112x64xf32, #tpu.memory_space<vmem_shared>>
        tpu.wait_indirect_dma semaphore(%run_scoped3A : memref<!tpu.dma_semaphore, #tpu.memory_space<semaphore_mem>>) src(%arg8 : memref<128x64xf32, #tpu.memory_space<vmem>>) dst(%dma_wait3A_39 : memref<10112x64xf32, #tpu.memory_space<vmem_shared>>)
        tpu.yield
      }) : () -> ()
    }
    %scan3A_19 = arith.constant 160 : i32
    %barrier3A_20 = arith.constant 0 : index
    tpu.barrier barrier_id(%barrier3A_20)
    %mul3A_21 = arith.constant 632 : i32
    %mul3A_22 = arith.muli %arg1, %mul3A_21 : i32
    %mul3A_23 = arith.constant 632 : i32
    %mul3A_24 = arith.muli %arg1, %mul3A_23 : i32
    "tpu.region"() ({
      %run_scoped3A = tpu.sem_alloc : memref<!tpu.dma_semaphore, #tpu.memory_space<semaphore_mem>>
      %dma_start3A = arith.constant 0 : i32
      %dma_start3A_25 = tpu.memref_slice %arg5[%arg0, %mul3A_24, %dma_start3A] : memref<2x10240x64xf32, #tpu.memory_space<hbm>> -> memref<1x632x64xf32, #tpu.memory_space<hbm>>
      %dma_start3A_26 = tpu.memref_squeeze %dma_start3A_25 : memref<1x632x64xf32, #tpu.memory_space<hbm>> -> memref<632x64xf32, #tpu.memory_space<hbm>>
      %dma_start3A_27 = arith.constant 0 : i32
      %dma_start3A_28 = tpu.memref_slice %arg10[%mul3A_22, %dma_start3A_27] : memref<10112x64xf32, #tpu.memory_space<vmem_shared>> -> memref<632x64xf32, #tpu.memory_space<vmem_shared>>
      tpu.enqueue_dma source(%dma_start3A_28 : memref<632x64xf32, #tpu.memory_space<vmem_shared>>) target(%dma_start3A_26 : memref<632x64xf32, #tpu.memory_space<hbm>>) target_semaphore(%run_scoped3A : memref<!tpu.dma_semaphore, #tpu.memory_space<semaphore_mem>>)
      %dma_wait3A = arith.constant 0 : i32
      %dma_wait3A_29 = tpu.memref_slice %arg5[%arg0, %mul3A_24, %dma_wait3A] : memref<2x10240x64xf32, #tpu.memory_space<hbm>> -> memref<1x632x64xf32, #tpu.memory_space<hbm>>
      %dma_wait3A_30 = tpu.memref_squeeze %dma_wait3A_29 : memref<1x632x64xf32, #tpu.memory_space<hbm>> -> memref<632x64xf32, #tpu.memory_space<hbm>>
      %dma_wait3A_31 = arith.constant 0 : i32
      %dma_wait3A_32 = tpu.memref_slice %arg10[%mul3A_22, %dma_wait3A_31] : memref<10112x64xf32, #tpu.memory_space<vmem_shared>> -> memref<632x64xf32, #tpu.memory_space<vmem_shared>>
      tpu.wait_dma2 semaphore(%run_scoped3A : memref<!tpu.dma_semaphore, #tpu.memory_space<semaphore_mem>>) src(%dma_wait3A_32 : memref<632x64xf32, #tpu.memory_space<vmem_shared>>) dst(%dma_wait3A_30 : memref<632x64xf32, #tpu.memory_space<hbm>>)
      tpu.yield
    }) : () -> ()
    return
  }
}

module attributes {stable_mosaic.version = 14 : i64} {
  func.func @_mm_scale_body(%arg0: i32, %arg1: memref<400x128xf32, #tpu.memory_space<vmem>>, %arg2: memref<128x128xf32, #tpu.memory_space<vmem>>, %arg3: memref<400x64xf32, #tpu.memory_space<vmem>>, %arg4: memref<2x400x64xf32, #tpu.memory_space<vmem>>) attributes {dimension_semantics = [#tpu.dimension_semantics<arbitrary>], iteration_bounds = array<i64: 25>, scalar_prefetch = 0 : i64, scratch_operands = 0 : i64, tpu.core_type = #tpu.core_type<tc>, window_params = [{transform_indices = @transform_0, window_bounds = array<i64: 400, 128>}, {pipeline_mode = #tpu.pipeline_mode<synchronous>, transform_indices = @transform_1, window_bounds = array<i64: 128, 128>}, {transform_indices = @transform_2, window_bounds = array<i64: 400, 64>}, {transform_indices = @transform_3, window_bounds = array<i64: 2, 400, 64>}]} {
    %get3A = arith.constant 0 : index
    %get3A_0 = arith.constant 0 : index
    %get3A_1 = vector.load %arg3[%get3A, %get3A_0] : memref<400x64xf32, #tpu.memory_space<vmem>>, vector<400x32xf32>
    %reduce_sum3A = arith.constant dense<0.000000e+00> : vector<400xf32>
    %reduce_sum3A_2 = vector.multi_reduction <add>, %get3A_1, %reduce_sum3A [1] : vector<400x32xf32> to vector<400xf32>
    %broadcast_in_dim3A = vector.shape_cast %reduce_sum3A_2 : vector<400xf32> to vector<400x1xf32>
    %max3A = arith.constant 1.000000e+00 : f32
    %max3A_3 = vector.broadcast %max3A : f32 to vector<400x1xf32>
    %max3A_4 = arith.maximumf %broadcast_in_dim3A, %max3A_3 : vector<400x1xf32>
    %rsqrt3A = math.rsqrt %max3A_4 : vector<400x1xf32>
    %get3A_5 = arith.constant 0 : index
    %get3A_6 = arith.constant 0 : index
    %get3A_7 = vector.load %arg1[%get3A_5, %get3A_6] : memref<400x128xf32, #tpu.memory_space<vmem>>, vector<400x128xf32>
    %get3A_8 = arith.constant 0 : index
    %get3A_9 = arith.constant 0 : index
    %get3A_10 = vector.load %arg2[%get3A_8, %get3A_9] : memref<128x128xf32, #tpu.memory_space<vmem>>, vector<128x128xf32>
    %dot_general3A = arith.constant dense<0.000000e+00> : vector<400x128xf32>
    %dot_general3A_11 = tpu.matmul %get3A_7, %get3A_10, %dot_general3A {dimension_numbers = #tpu.dot_dimension_numbers<[1], [0], [0], [1], [0, 0, 1, 1], [], []>, precision = #tpu.contract_precision<fp32>, transpose_lhs_hint = false} : vector<400x128xf32>, vector<128x128xf32>, vector<400x128xf32> -> vector<400x128xf32>
    %mul3A = vector.broadcast %rsqrt3A : vector<400x1xf32> to vector<400x128xf32>
    %mul3A_12 = arith.mulf %dot_general3A_11, %mul3A : vector<400x128xf32>
    %slice3A = vector.extract_strided_slice %mul3A_12 {offsets = [0, 0], sizes = [400, 64], strides = [1, 1]} : vector<400x128xf32> to vector<400x64xf32>
    %swap3A = arith.constant 0 : index
    %swap3A_13 = arith.constant 0 : index
    %swap3A_14 = arith.constant 0 : index
    %swap3A_15 = vector.load %arg4[%swap3A, %swap3A_13, %swap3A_14] : memref<2x400x64xf32, #tpu.memory_space<vmem>>, vector<1x400x64xf32>
    %swap3A_16 = vector.shape_cast %swap3A_15 : vector<1x400x64xf32> to vector<400x64xf32>
    %swap3A_17 = vector.shape_cast %slice3A : vector<400x64xf32> to vector<1x400x64xf32>
    tpu.vector_store %arg4[%swap3A, %swap3A_13, %swap3A_14], %swap3A_17 {strides = array<i32>} : memref<2x400x64xf32, #tpu.memory_space<vmem>>, vector<1x400x64xf32>,
    %slice3A_18 = vector.extract_strided_slice %mul3A_12 {offsets = [0, 64], sizes = [400, 64], strides = [1, 1]} : vector<400x128xf32> to vector<400x64xf32>
    %swap3A_19 = arith.constant 1 : index
    %swap3A_20 = arith.constant 0 : index
    %swap3A_21 = arith.constant 0 : index
    %swap3A_22 = vector.load %arg4[%swap3A_19, %swap3A_20, %swap3A_21] : memref<2x400x64xf32, #tpu.memory_space<vmem>>, vector<1x400x64xf32>
    %swap3A_23 = vector.shape_cast %swap3A_22 : vector<1x400x64xf32> to vector<400x64xf32>
    %swap3A_24 = vector.shape_cast %slice3A_18 : vector<400x64xf32> to vector<1x400x64xf32>
    tpu.vector_store %arg4[%swap3A_19, %swap3A_20, %swap3A_21], %swap3A_24 {strides = array<i32>} : memref<2x400x64xf32, #tpu.memory_space<vmem>>, vector<1x400x64xf32>,
    return
  }
  func.func @transform_0(%arg0: i32) -> (i32, i32) {
    %c0_i32 = arith.constant 0 : i32
    %c0_i32_0 = arith.constant 0 : i32
    return %arg0, %c0_i32 : i32, i32
  }
  func.func @transform_1(%arg0: i32) -> (i32, i32) {
    %c0_i32 = arith.constant 0 : i32
    %c0_i32_0 = arith.constant 0 : i32
    %c0_i32_1 = arith.constant 0 : i32
    return %c0_i32, %c0_i32_0 : i32, i32
  }
  func.func @transform_2(%arg0: i32) -> (i32, i32) {
    %c0_i32 = arith.constant 0 : i32
    %c0_i32_0 = arith.constant 0 : i32
    return %arg0, %c0_i32 : i32, i32
  }
  func.func @transform_3(%arg0: i32) -> (i32, i32, i32) {
    %c0_i32 = arith.constant 0 : i32
    %c0_i32_0 = arith.constant 0 : i32
    %c0_i32_1 = arith.constant 0 : i32
    return %c0_i32, %arg0, %c0_i32_0 : i32, i32, i32
  }
}

module attributes {stable_mosaic.version = 14 : i64} {
  func.func @_mid_body(%arg0: i32, %arg1: memref<2x400x64xf32, #tpu.memory_space<vmem>>, %arg2: memref<400x64xf32, #tpu.memory_space<vmem>>, %arg3: memref<1x128xf32, #tpu.memory_space<vmem>>, %arg4: memref<128x128xf32, #tpu.memory_space<vmem>>, %arg5: memref<2x400x64xf32, #tpu.memory_space<vmem>>) attributes {dimension_semantics = [#tpu.dimension_semantics<arbitrary>], iteration_bounds = array<i64: 25>, scalar_prefetch = 0 : i64, scratch_operands = 0 : i64, tpu.core_type = #tpu.core_type<tc>, window_params = [{transform_indices = @transform_0, window_bounds = array<i64: 2, 400, 64>}, {transform_indices = @transform_1, window_bounds = array<i64: 400, 64>}, {pipeline_mode = #tpu.pipeline_mode<synchronous>, transform_indices = @transform_2, window_bounds = array<i64: 1, 128>}, {pipeline_mode = #tpu.pipeline_mode<synchronous>, transform_indices = @transform_3, window_bounds = array<i64: 128, 128>}, {transform_indices = @transform_4, window_bounds = array<i64: 2, 400, 64>}]} {
    %get3A = arith.constant 0 : index
    %get3A_0 = arith.constant 0 : index
    %get3A_1 = vector.load %arg2[%get3A, %get3A_0] : memref<400x64xf32, #tpu.memory_space<vmem>>, vector<400x32xf32>
    %reduce_sum3A = arith.constant dense<0.000000e+00> : vector<400xf32>
    %reduce_sum3A_2 = vector.multi_reduction <add>, %get3A_1, %reduce_sum3A [1] : vector<400x32xf32> to vector<400xf32>
    %broadcast_in_dim3A = vector.shape_cast %reduce_sum3A_2 : vector<400xf32> to vector<400x1xf32>
    %max3A = arith.constant 1.000000e+00 : f32
    %max3A_3 = vector.broadcast %max3A : f32 to vector<400x1xf32>
    %max3A_4 = arith.maximumf %broadcast_in_dim3A, %max3A_3 : vector<400x1xf32>
    %rsqrt3A = math.rsqrt %max3A_4 : vector<400x1xf32>
    %get3A_5 = arith.constant 0 : index
    %get3A_6 = arith.constant 32 : index
    %get3A_7 = vector.load %arg2[%get3A_5, %get3A_6] : memref<400x64xf32, #tpu.memory_space<vmem>>, vector<400x32xf32>
    %reduce_sum3A_8 = arith.constant dense<0.000000e+00> : vector<400xf32>
    %reduce_sum3A_9 = vector.multi_reduction <add>, %get3A_7, %reduce_sum3A_8 [1] : vector<400x32xf32> to vector<400xf32>
    %broadcast_in_dim3A_10 = vector.shape_cast %reduce_sum3A_9 : vector<400xf32> to vector<400x1xf32>
    %max3A_11 = arith.constant 1.000000e+00 : f32
    %max3A_12 = vector.broadcast %max3A_11 : f32 to vector<400x1xf32>
    %max3A_13 = arith.maximumf %broadcast_in_dim3A_10, %max3A_12 : vector<400x1xf32>
    %rsqrt3A_14 = math.rsqrt %max3A_13 : vector<400x1xf32>
    %get3A_15 = arith.constant 0 : index
    %get3A_16 = arith.constant 0 : index
    %get3A_17 = arith.constant 0 : index
    %get3A_18 = vector.load %arg1[%get3A_15, %get3A_16, %get3A_17] : memref<2x400x64xf32, #tpu.memory_space<vmem>>, vector<1x400x64xf32>
    %get3A_19 = vector.shape_cast %get3A_18 : vector<1x400x64xf32> to vector<400x64xf32>
    %get3A_20 = arith.constant 1 : index
    %get3A_21 = arith.constant 0 : index
    %get3A_22 = arith.constant 0 : index
    %get3A_23 = vector.load %arg1[%get3A_20, %get3A_21, %get3A_22] : memref<2x400x64xf32, #tpu.memory_space<vmem>>, vector<1x400x64xf32>
    %get3A_24 = vector.shape_cast %get3A_23 : vector<1x400x64xf32> to vector<400x64xf32>
    %concatenate3A = tpu.concatenate %get3A_19, %get3A_24 in 1 : vector<400x64xf32>, vector<400x64xf32> -> vector<400x128xf32>
    %mul3A = vector.broadcast %rsqrt3A_14 : vector<400x1xf32> to vector<400x128xf32>
    %mul3A_25 = arith.mulf %concatenate3A, %mul3A : vector<400x128xf32>
    %get3A_26 = arith.constant 0 : index
    %get3A_27 = arith.constant 0 : index
    %get3A_28 = vector.load %arg3[%get3A_26, %get3A_27] : memref<1x128xf32, #tpu.memory_space<vmem>>, vector<1x128xf32>
    %add3A = vector.broadcast %get3A_28 : vector<1x128xf32> to vector<400x128xf32>
    %add3A_29 = arith.addf %mul3A_25, %add3A : vector<400x128xf32>
    %max3A_30 = arith.constant 0.000000e+00 : f32
    %max3A_31 = vector.broadcast %max3A_30 : f32 to vector<400x128xf32>
    %max3A_32 = arith.maximumf %add3A_29, %max3A_31 : vector<400x128xf32>
    %get3A_33 = arith.constant 0 : index
    %get3A_34 = arith.constant 0 : index
    %get3A_35 = vector.load %arg4[%get3A_33, %get3A_34] : memref<128x128xf32, #tpu.memory_space<vmem>>, vector<128x128xf32>
    %dot_general3A = arith.constant dense<0.000000e+00> : vector<400x128xf32>
    %dot_general3A_36 = tpu.matmul %max3A_32, %get3A_35, %dot_general3A {dimension_numbers = #tpu.dot_dimension_numbers<[1], [0], [0], [1], [0, 0, 1, 1], [], []>, precision = #tpu.contract_precision<fp32>, transpose_lhs_hint = false} : vector<400x128xf32>, vector<128x128xf32>, vector<400x128xf32> -> vector<400x128xf32>
    %mul3A_37 = vector.broadcast %rsqrt3A : vector<400x1xf32> to vector<400x128xf32>
    %mul3A_38 = arith.mulf %dot_general3A_36, %mul3A_37 : vector<400x128xf32>
    %slice3A = vector.extract_strided_slice %mul3A_38 {offsets = [0, 0], sizes = [400, 64], strides = [1, 1]} : vector<400x128xf32> to vector<400x64xf32>
    %swap3A = arith.constant 0 : index
    %swap3A_39 = arith.constant 0 : index
    %swap3A_40 = arith.constant 0 : index
    %swap3A_41 = vector.load %arg5[%swap3A, %swap3A_39, %swap3A_40] : memref<2x400x64xf32, #tpu.memory_space<vmem>>, vector<1x400x64xf32>
    %swap3A_42 = vector.shape_cast %swap3A_41 : vector<1x400x64xf32> to vector<400x64xf32>
    %swap3A_43 = vector.shape_cast %slice3A : vector<400x64xf32> to vector<1x400x64xf32>
    tpu.vector_store %arg5[%swap3A, %swap3A_39, %swap3A_40], %swap3A_43 {strides = array<i32>} : memref<2x400x64xf32, #tpu.memory_space<vmem>>, vector<1x400x64xf32>,
    %slice3A_44 = vector.extract_strided_slice %mul3A_38 {offsets = [0, 64], sizes = [400, 64], strides = [1, 1]} : vector<400x128xf32> to vector<400x64xf32>
    %swap3A_45 = arith.constant 1 : index
    %swap3A_46 = arith.constant 0 : index
    %swap3A_47 = arith.constant 0 : index
    %swap3A_48 = vector.load %arg5[%swap3A_45, %swap3A_46, %swap3A_47] : memref<2x400x64xf32, #tpu.memory_space<vmem>>, vector<1x400x64xf32>
    %swap3A_49 = vector.shape_cast %swap3A_48 : vector<1x400x64xf32> to vector<400x64xf32>
    %swap3A_50 = vector.shape_cast %slice3A_44 : vector<400x64xf32> to vector<1x400x64xf32>
    tpu.vector_store %arg5[%swap3A_45, %swap3A_46, %swap3A_47], %swap3A_50 {strides = array<i32>} : memref<2x400x64xf32, #tpu.memory_space<vmem>>, vector<1x400x64xf32>,
    return
  }
  func.func @transform_0(%arg0: i32) -> (i32, i32, i32) {
    %c0_i32 = arith.constant 0 : i32
    %c0_i32_0 = arith.constant 0 : i32
    %c0_i32_1 = arith.constant 0 : i32
    return %c0_i32, %arg0, %c0_i32_0 : i32, i32, i32
  }
  func.func @transform_1(%arg0: i32) -> (i32, i32) {
    %c0_i32 = arith.constant 0 : i32
    %c0_i32_0 = arith.constant 0 : i32
    return %arg0, %c0_i32 : i32, i32
  }
  func.func @transform_2(%arg0: i32) -> (i32, i32) {
    %c0_i32 = arith.constant 0 : i32
    %c0_i32_0 = arith.constant 0 : i32
    %c0_i32_1 = arith.constant 0 : i32
    return %c0_i32, %c0_i32_0 : i32, i32
  }
  func.func @transform_3(%arg0: i32) -> (i32, i32) {
    %c0_i32 = arith.constant 0 : i32
    %c0_i32_0 = arith.constant 0 : i32
    %c0_i32_1 = arith.constant 0 : i32
    return %c0_i32, %c0_i32_0 : i32, i32
  }
  func.func @transform_4(%arg0: i32) -> (i32, i32, i32) {
    %c0_i32 = arith.constant 0 : i32
    %c0_i32_0 = arith.constant 0 : i32
    %c0_i32_1 = arith.constant 0 : i32
    return %c0_i32, %arg0, %c0_i32_0 : i32, i32, i32
  }
}

module attributes {stable_mosaic.version = 14 : i64} {
  func.func @_final_body(%arg0: i32, %arg1: memref<2x400x64xf32, #tpu.memory_space<vmem>>, %arg2: memref<400x64xf32, #tpu.memory_space<vmem>>, %arg3: memref<1x128xf32, #tpu.memory_space<vmem>>, %arg4: memref<400x128xf32, #tpu.memory_space<vmem>>) attributes {dimension_semantics = [#tpu.dimension_semantics<arbitrary>], iteration_bounds = array<i64: 25>, scalar_prefetch = 0 : i64, scratch_operands = 0 : i64, tpu.core_type = #tpu.core_type<tc>, window_params = [{transform_indices = @transform_0, window_bounds = array<i64: 2, 400, 64>}, {transform_indices = @transform_1, window_bounds = array<i64: 400, 64>}, {pipeline_mode = #tpu.pipeline_mode<synchronous>, transform_indices = @transform_2, window_bounds = array<i64: 1, 128>}, {transform_indices = @transform_3, window_bounds = array<i64: 400, 128>}]} {
    %get3A = arith.constant 0 : index
    %get3A_0 = arith.constant 32 : index
    %get3A_1 = vector.load %arg2[%get3A, %get3A_0] : memref<400x64xf32, #tpu.memory_space<vmem>>, vector<400x32xf32>
    %reduce_sum3A = arith.constant dense<0.000000e+00> : vector<400xf32>
    %reduce_sum3A_2 = vector.multi_reduction <add>, %get3A_1, %reduce_sum3A [1] : vector<400x32xf32> to vector<400xf32>
    %broadcast_in_dim3A = vector.shape_cast %reduce_sum3A_2 : vector<400xf32> to vector<400x1xf32>
    %max3A = arith.constant 1.000000e+00 : f32
    %max3A_3 = vector.broadcast %max3A : f32 to vector<400x1xf32>
    %max3A_4 = arith.maximumf %broadcast_in_dim3A, %max3A_3 : vector<400x1xf32>
    %rsqrt3A = math.rsqrt %max3A_4 : vector<400x1xf32>
    %get3A_5 = arith.constant 0 : index
    %get3A_6 = arith.constant 0 : index
    %get3A_7 = arith.constant 0 : index
    %get3A_8 = vector.load %arg1[%get3A_5, %get3A_6, %get3A_7] : memref<2x400x64xf32, #tpu.memory_space<vmem>>, vector<1x400x64xf32>
    %get3A_9 = vector.shape_cast %get3A_8 : vector<1x400x64xf32> to vector<400x64xf32>
    %get3A_10 = arith.constant 1 : index
    %get3A_11 = arith.constant 0 : index
    %get3A_12 = arith.constant 0 : index
    %get3A_13 = vector.load %arg1[%get3A_10, %get3A_11, %get3A_12] : memref<2x400x64xf32, #tpu.memory_space<vmem>>, vector<1x400x64xf32>
    %get3A_14 = vector.shape_cast %get3A_13 : vector<1x400x64xf32> to vector<400x64xf32>
    %concatenate3A = tpu.concatenate %get3A_9, %get3A_14 in 1 : vector<400x64xf32>, vector<400x64xf32> -> vector<400x128xf32>
    %mul3A = vector.broadcast %rsqrt3A : vector<400x1xf32> to vector<400x128xf32>
    %mul3A_15 = arith.mulf %concatenate3A, %mul3A : vector<400x128xf32>
    %get3A_16 = arith.constant 0 : index
    %get3A_17 = arith.constant 0 : index
    %get3A_18 = vector.load %arg3[%get3A_16, %get3A_17] : memref<1x128xf32, #tpu.memory_space<vmem>>, vector<1x128xf32>
    %add3A = vector.broadcast %get3A_18 : vector<1x128xf32> to vector<400x128xf32>
    %add3A_19 = arith.addf %mul3A_15, %add3A : vector<400x128xf32>
    %swap3A = arith.constant 0 : index
    %swap3A_20 = arith.constant 0 : index
    %swap3A_21 = vector.load %arg4[%swap3A, %swap3A_20] : memref<400x128xf32, #tpu.memory_space<vmem>>, vector<400x128xf32>
    tpu.vector_store %arg4[%swap3A, %swap3A_20], %add3A_19 {strides = array<i32>} : memref<400x128xf32, #tpu.memory_space<vmem>>, vector<400x128xf32>,
    return
  }
  func.func @transform_0(%arg0: i32) -> (i32, i32, i32) {
    %c0_i32 = arith.constant 0 : i32
    %c0_i32_0 = arith.constant 0 : i32
    %c0_i32_1 = arith.constant 0 : i32
    return %c0_i32, %arg0, %c0_i32_0 : i32, i32, i32
  }
  func.func @transform_1(%arg0: i32) -> (i32, i32) {
    %c0_i32 = arith.constant 0 : i32
    %c0_i32_0 = arith.constant 0 : i32
    return %arg0, %c0_i32 : i32, i32
  }
  func.func @transform_2(%arg0: i32) -> (i32, i32) {
    %c0_i32 = arith.constant 0 : i32
    %c0_i32_0 = arith.constant 0 : i32
    %c0_i32_1 = arith.constant 0 : i32
    return %c0_i32, %c0_i32_0 : i32, i32
  }
  func.func @transform_3(%arg0: i32) -> (i32, i32) {
    %c0_i32 = arith.constant 0 : i32
    %c0_i32_0 = arith.constant 0 : i32
    return %arg0, %c0_i32 : i32, i32
  }
}

</mosaic_0001>

<sc_bundles>
// kernel: kernel.11.cloned.1.call-start
scs
__scs_entry_jumppad:
0x0: {  	(pc) =	sbr.rel $0x88, $3  }
0x1: {  	(tag) =	ssettag $0x0;
	lr =	simm.s32 $0x1  }
0x2: {  	[smem:$0x3F9B] =	sst lr;
	_ =	strace $0xD0000000  }
0x3: {  	_ = 	snop  }
0x4: {  	_ = 	snop  }
0x5: {  	_ = 	snop  }
0x6: {  	_ = 	snop  }
0x7: {  	_ = 	snop  }
__scs_overlays_trampoline_lowered:
0x8: {  	[smem:$0x3FAA] =	sst s0  }
0x9: {  	[smem:$0x3FAB] =	sst s1  }
0xa: {  	[smem:$0x3FAC] =	sst s2  }
0xb: {  	[smem:$0x3FAD] =	sst s3  }
0xc: {  	[smem:$0x3FAE] =	sst s4  }
0xd: {  	[smem:$0x3FAF] =	sst s5  }
0xe: {  	[smem:$0x3FB0] =	sst s6  }
0xf: {  	[smem:$0x3FB1] =	sst s7  }
0x10: {  	[smem:$0x3FB2] =	sst s8  }
0x11: {  	[smem:$0x3FB3] =	sst s9;
	s0 =	simm.s32 @!p0 $0x0  }
0x12: {  	s1 =	sld [smem:$0x3F99];
	s0 =	simm.s32 @p0 $0x1  }
0x13: {  	[smem:$0x3FB4] =	sst s0;
	s0 =	simm.s32 @!p1 $0x0  }
0x14: {  	s2 =	sld [smem:$0x3F98];
	s0 =	simm.s32 @p1 $0x1  }
0x15: {  	[smem:$0x3FB5] =	sst s0;
	s0 =	simm.s32 @!p2 $0x0  }
0x16: {  	s3 =	sld [smem:$0x3FDB];
	s0 =	simm.s32 @p2 $0x1  }
0x17: {  	s4 =	simm.s32 $0x1BF5;
	[smem:$0x3FB7] =	sst s0  }
0x18: {  	s0 =	sld [smem:$0x3F9A];
	_ =	swait.ge [sflag:s4], $0x0  }
0x19: {  	s7 =	sld [smem:$0x3F9B]  }
0x1a: {  	s8 =	sadd.s32 $0xFFFFE003, lr  }
0x1b: {  	s9 =	sadd.s32 $0xFFFFFEF7, lr;
	s5 =	simm.s32 $0xFFFFFFFF;
	p2 =	slt.u32 s8, $0xFFFFF086  }
0x1c: {  	p1 =	slt.u32 s9, $0xF7A;
	s5 =	simm.s32 @!p2 $0x0  }
0x1d: {  	s5 =	simm.s32 @p1 $0x1;
	p0 =	seq.s32 s7, s2  }
0x1e: {  	s7 =	smul.u32 @!p0 $0xF7A, s2;
	p2 =	seq.s32 @!p0 s5, $0x0  }
0x1f: {  	s9 =	smul.u32 $0xF7A, s1;
	s8 =	simm.s32 @!p0 $0x1BF5;
	p2 =	por !p2, p0  }
0x20: {  	[sflag:s8] =	ssyncset.s32 @!p0 $0xFFFFF086;
	s6 =	sadd.s32 @!p0 s3, s7;
	s7 =	simm.s32 @!p0 $0x108  }
0x21: {  	s3 =	sadd.s32 s3, s9;
	s6 =	sadd.s32 @!p0 $0x88, s6;
	s7 =	simm.s32 @p2 $0x1082  }
0x22: {  	[simem:s7], [sflag:s8] =	dma.local @!p0 [hbm:s6], $0xF7A  }
0x23: {  	s9 =	sor.u32 $0xD0000000, s2;
	s6 =	simm.s32 $0x108;
	_ =	swait.ge @!p0 [sflag:s8], $0x0  }
0x24: {  	s3 =	sadd.s32 $0x88, s3;
	s6 =	simm.s32 @!p1 $0x1082;
	[sflag:s4] =	ssyncset.s32 $0xFFFFF086  }
0x25: {  	[simem:s6], [sflag:s4] =	dma.local [hbm:s3], $0xF7A  }
0x26: {  	[smem:$0x3F9B] =	sst s1;
	(tag) =	ssettag s2;
	_ =	strace s9  }
0x27: {  	s1 =	sld [smem:$0x3FAB]  }
0x28: {  	s2 =	sld [smem:$0x3FAC]  }
0x29: {  	s4 =	sld [smem:$0x3FAE]  }
0x2a: {  	p0 =	seq.s32 s5, $0x0;
	s5 =	sld [smem:$0x3FAF]  }
0x2b: {  	s6 =	sld [smem:$0x3FB0]  }
0x2c: {  	s7 =	sld [smem:$0x3FB1]  }
0x2d: {  	s3 =	simm.s32 $0x108;
	s8 =	sld [smem:$0x3FB2]  }
0x2e: {  	s3 =	simm.s32 @!p0 $0x1082;
	s9 =	sld [smem:$0x3FB3]  }
0x2f: {  	lr =	sadd.s32 s0, s3;
	s0 =	sld [smem:$0x3FAA]  }
0x30: {  	s3 =	sld [smem:$0x3FAD]  }
0x31: {  	[smem:$0x3FB6] =	sst s10  }
0x32: {  	s10 =	sld [smem:$0x3FB4];
	_ =	sdelay $0x3  }
0x33: {  	p0 =	seq.s32 s10, $0x1;
	s10 =	sld [smem:$0x3FB6];
	_ =	sdelay $0x3  }
0x34: {  	[smem:$0x3FB6] =	sst s10  }
0x35: {  	s10 =	sld [smem:$0x3FB5];
	_ =	sdelay $0x3  }
0x36: {  	p1 =	seq.s32 s10, $0x1;
	s10 =	sld [smem:$0x3FB6];
	_ =	sdelay $0x3  }
0x37: {  	[smem:$0x3FB6] =	sst s10  }
0x38: {  	s10 =	sld [smem:$0x3FB7]  }
0x39: {  	_ = 	snop;
	(pc) =	sbr.ind lr, $3  }
0x3a: {  	_ = 	snop  }
0x3b: {  	_ = 	snop  }
0x3c: {  	p2 =	seq.s32 s10, $0x1;
	s10 =	sld [smem:$0x3FB6]  }
0x3d: {  	_ =	shalt  }
0x3e: {  	_ =	shalt  }
0x3f: {  	_ =	shalt  }
0x40: {  	_ =	shalt  }
0x41: {  	_ =	shalt  }
0x42: {  	_ =	shalt  }
0x43: {  	_ =	shalt  }
0x44: {  	_ =	shalt  }
0x45: {  	_ =	shalt  }
0x46: {  	_ =	shalt  }
0x47: {  	_ =	shalt  }
0x48: {  	_ =	shalt  }
0x49: {  	_ =	shalt  }
0x4a: {  	_ =	shalt  }
0x4b: {  	_ =	shalt  }
0x4c: {  	_ =	shalt  }
0x4d: {  	_ =	shalt  }
0x4e: {  	_ =	shalt  }
0x4f: {  	_ =	shalt  }
0x50: {  	_ =	shalt  }
0x51: {  	_ =	shalt  }
0x52: {  	_ =	shalt  }
0x53: {  	_ =	shalt  }
0x54: {  	_ =	shalt  }
0x55: {  	_ =	shalt  }
0x56: {  	_ =	shalt  }
0x57: {  	_ =	shalt  }
0x58: {  	_ =	shalt  }
0x59: {  	_ =	shalt  }
0x5a: {  	_ =	shalt  }
0x5b: {  	_ =	shalt  }
0x5c: {  	_ =	shalt  }
0x5d: {  	_ =	shalt  }
0x5e: {  	_ =	shalt  }
0x5f: {  	_ =	shalt  }
0x60: {  	_ =	shalt  }
0x61: {  	_ =	shalt  }
0x62: {  	_ =	shalt  }
0x63: {  	_ =	shalt  }
0x64: {  	_ =	shalt  }
0x65: {  	_ =	shalt  }
0x66: {  	_ =	shalt  }
0x67: {  	_ =	shalt  }
0x68: {  	_ =	shalt  }
0x69: {  	_ =	shalt  }
0x6a: {  	_ =	shalt  }
0x6b: {  	_ =	shalt  }
0x6c: {  	_ =	shalt  }
0x6d: {  	_ =	shalt  }
0x6e: {  	_ =	shalt  }
0x6f: {  	_ =	shalt  }
0x70: {  	_ =	shalt  }
0x71: {  	_ =	shalt  }
0x72: {  	_ =	shalt  }
0x73: {  	_ =	shalt  }
0x74: {  	_ =	shalt  }
0x75: {  	_ =	shalt  }
0x76: {  	_ =	shalt  }
0x77: {  	_ =	shalt  }
0x78: {  	_ =	shalt  }
0x79: {  	_ =	shalt  }
0x7a: {  	_ =	shalt  }
0x7b: {  	_ =	shalt  }
0x7c: {  	_ =	shalt  }
0x7d: {  	_ =	shalt  }
0x7e: {  	_ =	shalt  }
0x7f: {  	_ =	shalt  }
0x80: {  	_ =	shalt  }
0x81: {  	_ =	shalt  }
0x82: {  	_ =	shalt  }
0x83: {  	_ =	shalt  }
0x84: {  	_ =	shalt  }
0x85: {  	_ =	shalt  }
0x86: {  	_ =	shalt  }
0x87: {  	_ =	shalt  }
.Lfunc_end0:
.L_simem_size_0:
called_computation.1_lowered:
.L_overlay_start_0:
0x88: {  	s2 =	sld [smem:$0x3FD9]  }
0x89: {  	s3 =	sld [smem:$0x3FFE];
	_ =	sdelay $0x1  }
0x8a: {  	s1 =	srdreg.scid  }
0x8b: {  	s0 =	sand.u32 $0x1, s1  }
0x8c: {  	s16 =	sshll.u32 s0, $0xA;
	s2 =	sadd.s32 s3, s2  }
0x8d: {  	s2 =	sadd.s32 s2, s16  }
0x8e: {  	[smem:$0x3FC2] =	sst s2  }
0x8f: {  	_ = 	snop  }
0x90: {  	(tm) =	ssettm $0x1  }
0x91: {  	s17 =	sld [smem:$0x3FFB];
	_ =	sdelay $0x3  }
0x92: {  	_ =	strace s17  }
0x93: {  	s2 =	sld [smem:$0x3FFC];
	_ =	sdelay $0x3  }
0x94: {  	_ =	strace s2  }
0x95: {  	s2 =	sld [smem:$0x3FFD];
	_ =	sdelay $0x3  }
0x96: {  	_ =	strace s2  }
0x97: {  	_ =	strace $0x8FFFFFFF  }
0x98: {  	s18 =	sld [smem:$0x3FDB];
	_ =	sdelay $0x1  }
0x99: {  	s19 =	simm.s32 $_scs_section_size  }
0x9a: {  	s4 =	simm.s32 $_size__tile_overlayer_lowered;
	s5 =	simm.s32 $_tile_overlayer_lowered  }
0x9b: {  	s22 =	simm.s32 $0x1BFF;
	s21 =	sshll.u32 s5, $0x1;
	s2 =	sadd.s32 s19, s18  }
0x9c: {  	s6 =	simm.s32 $0x0;
	s20 =	sshll.u32 s4, $0x1;
	s4 =	sadd.s32 s21, s2  }
0x9d: {  	[timem:s6], [sflag:s22] =	dma.local [hbm:s4], s20  }
0x9e: {  	_ =	swait.ge [sflag:s22], s20  }
0x9f: {  	s3 =	ssub.s32 $0x0, s20;
	[sflag:s22] =	ssyncset.done $0x0  }
0xa0: {  	[sflag:s22] =	ssyncadd.s32 s3;
	_ =	sdelay $0x1  }
0xa1: {  	s23 =	simm.s32 $0x1B8B  }
0xa2: {  	_ =	swait.ge [sflag:s23], $0x1  }
0xa3: {  	[sflag:s23] =	ssyncset.done $0x0  }
0xa4: {  	s25 =	simm.s32 $0x1B8E;
	s24 =	sld [smem:$0x3FFE];
	[sflag:s23] =	ssyncadd.s32 $0xFFFFFFFF  }
0xa5: {  	s26 =	simm.s32 $execute0_lowered;
	[smem:$0x3FD2] =	sst s25  }
0xa6: {  	s4 =	sshll.u32 s26, $0x1;
	_ =	strace $0x80000049;
	[dreg:$0x1] =	wrdreg $0xFFFFFFFF  }
0xa7: {  	s28 =	simm.s32 $_size_execute0_lowered;
	s2 =	sadd.s32 s2, s4;
	[dreg:$0x0] =	wrdreg $0x0  }
0xa8: {  	s4 =	sshll.u32 s28, $0x1;
	[dreg:$0x2] =	wrdreg s2  }
0xa9: {  	[dreg:$0x3] =	wrdreg s4  }
0xaa: {  	[dreg:$0x4] =	wrdreg $0xC0  }
0xab: {  	_ =	task [dreg:s6], $0x5FFFF  }
0xac: {  	[dreg:$0x1] =	wrdreg $0xFFFFFFFF  }
0xad: {  	[dreg:$0x0] =	wrdreg $0x60  }
0xae: {  	[dreg:$0x2] =	wrdreg s24  }
0xaf: {  	[dreg:$0x3] =	wrdreg $0x15E000  }
0xb0: {  	[dreg:$0x4] =	wrdreg $0xC0000  }
0xb1: {  	[dreg:$0x5] =	wrdreg $0x9  }
0xb2: {  	_ =	task.clear_ibuf [dreg:s6], $0x6FFFF;
	_ =	strace $0x90000049  }
0xb3: {  	s29 =	simm.s32 $0x9;
	_ =	strace $0x8000004B  }
0xb4: {  	_ =	swait.ge [sflag:s29], $0x1  }
0xb5: {  	[sflag:s29] =	ssyncadd.s32 $0xFFFFFFFF  }
0xb6: {  	_ =	strace $0x9000004B  }
0xb7: {  	_ =	sfence  }
0xb8: {  	s30 =	sld [smem:$0x0];
	_ =	sdelay $0x2  }
0xb9: {  	s31 =	sshll.u32 s1, $0xD;
	s1 =	sshrl.u32 s1, $0x2  }
0xba: {  	s3 =	sand.u32 $0x4000, s31;
	s1 =	sadd.s32 s1, s30  }
0xbb: {  	s0 =	sor.u32 s3, s0;
	s1 =	sshll.u32 s1, $0x11  }
0xbc: {  	s0 =	sor.u32 s1, s0  }
0xbd: {  	s0 =	sadd.s32 $0x8F2B, s0  }
0xbe: {  	[sflag:s0] =	ssyncadd.remote.s32 $0x1  }
0xbf: {  	_ =	sfence.sel $0xFFFF  }
0xc0: {  	[dreg:$0x0] =	wrdreg $0xFFFFFFFF;
	(pc) =	sbr.abs _section_cstart, $3  }
0xc1: {  	[dreg:$0x1] =	wrdreg $0xFFFFFFFF  }
0xc2: {  	_ =	task.clear_ibuf [dreg:s6], $0x2FFFF;
	_ =	strace $0x9FFFFFFF  }
0xc3: {  	(tm) =	ssettm $0x7FFFFFFF  }
tec
execute0_lowered:
.L_overlay_start_1:
0x0: {  	(tag) =	ssettag $0x1  }
0x1: {  	s6 =	rddreg [dreg:$0x0]  }
0x2: {  	s1 =	rddreg [dreg:$0x1];
	s0 =	stileid.u32  }
0x3: {  	s2 =	srdreg.scid;
	s3 =	rddreg [dreg:$0x2];
	s4 =	simm.s32 $0x0  }
0x4: {  	s15 =	simm.s32 $0xA000;
	s16 =	simm.s32 $0x1;
	s5 =	smul.u32 $0xA00, s0  }
0x5: {  	s19 =	simm.s32 $0x5000;
	s20 =	simm.s32 $0x80;
	s11 =	smul.u32 $0x9E00, s0  }
0x6: {  	s7 =	sand.u32 $0x1, s2;
	s2 =	rddreg [dreg:$0x3];
	s9 =	smul.u32 $0x27800, s0  }
0x7: {  	[smem:$0x7FF] =	sst s4;
	s17 =	sshll.u32 s0, $0x6;
	s8 =	smul.u32 $0xA0000, s7  }
0x8: {  	_ =	strace $0x8000004A;
	s7 =	ssub.s32 $0x2, s7;
	s17 =	sor.u32 $0x1C01, s17  }
0x9: {  	s10 =	sadd.s32 s5, s6;
	s30 =	sshrl.u32 s9, $0x2;
	s12 =	sshrl.u32 s7, $0x1  }
0xa: {  	s18 =	sadd.s32 s11, s3;
	s21 =	sadd.s32 s11, s1;
	s29 =	sadd.s32 s11, s8  }
0xb: {  	s5 =	sadd.s32 s30, s1;
	s12 =	ssub.s32 s7, s12;
	s8 =	sadd.s32 $0x15800, s10  }
0xc: {  	s9 =	sadd.s32 $0x1F800, s10;
	s18 =	sshrl.u32 s18, $0x3;
	s21 =	sshrl.u32 s21, $0x3  }
0xd: {  	s31 =	sshrl.u32 s29, $0x3;
	s11 =	smax.u32 s12, $0x1;
	s12 =	sadd.s32 $0x2000, s5  }
0xe: {  	s14 =	sadd.s32 $0x6000, s5;
	s13 =	sadd.s32 s31, s6;
	s6 =	sadd.s32 $0x8000, s5  }
0xf: {  	v0 =	vimm.f32 $0.0e+00;
	s7 =	sadd.s32 $0x29800, s13;
	s10 =	sadd.s32 $0x51800, s13;
	s13 =	sadd.s32 $0x4000, s5  }
.LBB2_1:
0x10: {  	s23 =	simm.s32 $0x100;
	s22 =	simm.s32 $0x0  }
.LBB2_2:
0x11: {  	p0 =	sne.s32 s23, $0x7F00;
	[tilespmem:s22+$0xA030] =	vst v0;
	s24 =	smov.u32 s23;
	s23 =	sadd.s32 $0x100, s23  }
.Ltmp0:
0x12: {  	[tilespmem:s22+$0xA020] =	vst v0;
	(pc) =	sbr.rel @p0 .LBB2_2-.Ltmp0, $3  }
0x13: {  	[tilespmem:s22+$0xA000] =	vst v0  }
0x14: {  	[tilespmem:s22+$0xA010] =	vst v0;
	_ =	sdelay $0x1  }
0x15: {  	s22 =	sshra.s32 s24, $0x2  }
0x16: {  	[tilespmem:s22+$0xA030] =	vst v0  }
0x17: {  	[tilespmem:s22+$0xA020] =	vst v0  }
0x18: {  	[tilespmem:s22+$0xA000] =	vst v0  }
0x19: {  	[tilespmem:s22+$0xA010] =	vst v0  }
0x1a: {  	[spmem:s5] =	stream.linear.scatter [tilespmem:s15], [sflag:$0x1], $0x2000, $0x38;
	[tilespmem:$0x1FC00] =	vst v63  }
0x1b: {  	_ =	swait.ge [sflag:s16], $0x2000  }
0x1c: {  	[sflag:s16] =	ssyncset.done $0x0  }
0x1d: {  	[sflag:s16] =	ssyncadd.s32 $0xFFFFE000  }
0x1e: {  	[spmem:s12] =	stream.linear.scatter [tilespmem:s15], [sflag:$0x1], $0x2000, $0x38;
	[tilespmem:$0x1FC00] =	vst v63  }
0x1f: {  	_ =	swait.ge [sflag:s16], $0x2000  }
0x20: {  	[sflag:s16] =	ssyncset.done $0x0  }
0x21: {  	[sflag:s16] =	ssyncadd.s32 $0xFFFFE000  }
0x22: {  	[spmem:s13] =	stream.linear.scatter [tilespmem:s15], [sflag:$0x1], $0x2000, $0x38;
	[tilespmem:$0x1FC00] =	vst v63  }
0x23: {  	_ =	swait.ge [sflag:s16], $0x2000  }
0x24: {  	[sflag:s16] =	ssyncset.done $0x0  }
0x25: {  	[sflag:s16] =	ssyncadd.s32 $0xFFFFE000  }
0x26: {  	[spmem:s14] =	stream.linear.scatter [tilespmem:s15], [sflag:$0x1], $0x2000, $0x38;
	[tilespmem:$0x1FC00] =	vst v63  }
0x27: {  	_ =	swait.ge [sflag:s16], $0x2000  }
0x28: {  	[sflag:s16] =	ssyncset.done $0x0  }
0x29: {  	[sflag:s16] =	ssyncadd.s32 $0xFFFFE000  }
0x2a: {  	[spmem:s6] =	stream.linear.scatter [tilespmem:s15], [sflag:$0x1], $0x1E00, $0x38;
	[tilespmem:$0x1FC00] =	vst v63  }
0x2b: {  	_ =	swait.ge [sflag:s16], $0x1E00  }
0x2c: {  	[sflag:s16] =	ssyncset.done $0x0  }
0x2d: {  	[sflag:s16] =	ssyncadd.s32 $0xFFFFE200  }
0x2e: {  	[spmem:s18], [sflag:s17] =	dma.local [hbm:s7], $0x13C0  }
0x2f: {  	_ =	swait.ge [sflag:s16], $0x13C0  }
0x30: {  	[sflag:s16] =	ssyncset.done $0x0  }
0x31: {  	s29 =	simm.s32 $0x0;
	[sflag:s16] =	ssyncadd.s32 $0xFFFFEC40  }
0x32: {  	[tilespmem:s29], [sflag:$0x1] =	stream.linear.gather [hbm4b:s8+s29], $0x5000, $0x38;
	[tilespmem:$0x1FC00] =	vst v63  }
0x33: {  	_ =	swait.ge [sflag:s16], $0x5000  }
0x34: {  	[sflag:s16] =	ssyncset.done $0x0  }
0x35: {  	[sflag:s16] =	ssyncadd.s32 $0xFFFFB000  }
0x36: {  	[tilespmem:s19], [sflag:$0x1] =	stream.linear.gather [hbm4b:s9+s29], $0x5000, $0x38;
	[tilespmem:$0x1FC00] =	vst v63  }
0x37: {  	_ =	swait.ge [sflag:s16], $0x5000  }
0x38: {  	[sflag:s16] =	ssyncset.done $0x0  }
0x39: {  	[sflag:s16] =	ssyncadd.s32 $0xFFFFB000  }
0x3a: {  	s30 =	simm.s32 $0x0;
	[bflag:$0x0] =	sbarrier.arrive $0xFFFF  }
0x3b: {  	[tilespmem:s15], [sflag:$0x1] =	stream.indirect.gather [spmem:s3], $0x40, s30, s20, $0xb8;
	[tilespmem:$0x1FC00] =	vst v63  }
0x3c: {  	_ =	swait.ge [sflag:s16], $0x2000  }
0x3d: {  	[sflag:s16] =	ssyncset.done $0x0  }
0x3e: {  	s31 =	simm.s32 $0x5000;
	[sflag:s16] =	ssyncadd.s32 $0xFFFFE000  }
0x3f: {  	[spmem:s1] =	stream.indirect.scatter.add.f32 [tilespmem:s15], [sflag:$0x1], $0x40, s31, s20, $0xb8;
	[tilespmem:$0x1FC00] =	vst v63  }
0x40: {  	_ =	swait.ge [sflag:s16], $0x2000  }
0x41: {  	s22 =	simm.s32 $0x200;
	s23 =	simm.s32 $0x400;
	[sflag:s16] =	ssyncset.done $0x0  }
.LBB2_4:
0x42: {  	s24 =	sshra.s32 s22, $0x2  }
0x43: {  	[sflag:s16] =	ssyncadd.s32 $0xFFFFE000;
	s22 =	smov.u32 s23;
	s25 =	sadd.s32 $0x200, s23  }
0x44: {  	[tilespmem:s15], [sflag:$0x1] =	stream.indirect.gather [spmem:s3], $0x40, s24, s20, $0xb8;
	[tilespmem:$0x1FC00] =	vst v63  }
0x45: {  	p0 =	sne.s32 s23, $0x13E00;
	_ =	swait.ge [sflag:s16], $0x2000  }
.Ltmp1:
0x46: {  	[sflag:s16] =	ssyncset.done $0x0;
	(pc) =	sbr.rel @p0 .LBB2_4-.Ltmp1, $4  }
0x47: {  	s23 =	sadd.s32 $0x5000, s24;
	[sflag:s16] =	ssyncadd.s32 $0xFFFFE000  }
0x48: {  	[spmem:s1] =	stream.indirect.scatter.add.f32 [tilespmem:s15], [sflag:$0x1], $0x40, s23, s20, $0xb8;
	[tilespmem:$0x1FC00] =	vst v63  }
0x49: {  	_ =	swait.ge [sflag:s16], $0x2000  }
0x4a: {  	s23 =	smov.u32 s25;
	[sflag:s16] =	ssyncset.done $0x0  }
0x4b: {  	s22 =	sshra.s32 s22, $0x2;
	[sflag:s16] =	ssyncadd.s32 $0xFFFFE000  }
0x4c: {  	[tilespmem:s15], [sflag:$0x1] =	stream.indirect.gather [spmem:s3], $0x40, s22, s20, $0xb8;
	[tilespmem:$0x1FC00] =	vst v63  }
0x4d: {  	_ =	swait.ge [sflag:s16], $0x2000  }
0x4e: {  	[sflag:s16] =	ssyncset.done $0x0  }
0x4f: {  	s22 =	sadd.s32 $0x5000, s22;
	[sflag:s16] =	ssyncadd.s32 $0xFFFFE000  }
0x50: {  	[spmem:s1] =	stream.indirect.scatter.add.f32 [tilespmem:s15], [sflag:$0x1], $0x40, s22, s20, $0xb8;
	[tilespmem:$0x1FC00] =	vst v63  }
0x51: {  	_ =	swait.ge [sflag:s16], $0x2000  }
0x52: {  	s4 =	sadd.s32 $0x1, s4;
	[sflag:s16] =	ssyncset.done $0x0  }
0x53: {  	p0 =	sne.s32 s4, s11;
	[sflag:s16] =	ssyncadd.s32 $0xFFFFE000  }
.Ltmp2:
0x54: {  	[bflag:$0x0] =	sbarrier.arrive $0xFFFF;
	(pc) =	sbr.rel @p0 .LBB2_1-.Ltmp2, $4  }
0x55: {  	[hbm:s10], [sflag:s17] =	dma.local [spmem:s21], $0x13C0  }
0x56: {  	_ =	swait.ge [sflag:s16], $0x13C0  }
0x57: {  	[sflag:s16] =	ssyncset.done $0x0  }
0x58: {  	[sflag:s16] =	ssyncadd.s32 $0xFFFFEC40  }
0x59: {  	_ =	sfence.sel $0x180000  }
0x5a: {  	[bflag:$0x0] =	sbarrier.arrive $0xFFFF  }
0x5b: {  	p0 =	sne.s32 s0, $0x0;
	_ =	strace $0x9000004A  }
0x5c: {  	s0 =	sadd.s32 @!p0 $0x100000, s2;
	[bflag:$0x2] =	sbarrier.arrive $0xFFFF  }
0x5d: {  	[sflag:s0] =	ssyncadd.tile.s32 @!p0 $0x1;
	_ =	shalt  }
.Lfunc_end2:
_tile_overlayer_lowered:
.L_overlay_start_2:
0x5e: {  	(tag) =	ssettag $0x2  }
0x5f: {  	s0 =	rddreg [dreg:$0x0];
	s2 =	stileid.u32  }
0x60: {  	s1 =	rddreg [dreg:$0x1];
	p0 =	sne.s32 s2, $0x0  }
0x61: {  	s3 =	rddreg [dreg:$0x2];
	[bflag:$0x3] =	sbarrier.arrive $0xFFFF;
	s2 =	simm.s32 @!p0 $0x1C01  }
0x62: {  	[timem:s3], [sflag:s2] =	dma.local @!p0 [hbm:s0], s1  }
0x63: {  	s0 =	simm.s32 @!p0 $0x1  }
0x64: {  	_ =	swait.ge @!p0 [sflag:s0], s1  }
0x65: {  	s1 =	ssub.s32 @!p0 $0x0, s1;
	[sflag:s0] =	ssyncset.done @!p0 $0x0  }
0x66: {  	[sflag:s0] =	ssyncadd.s32 @!p0 s1  }
0x67: {  	[bflag:$0x3] =	sbarrier.arrive $0xFFFF  }
0x68: {  	_ =	shalt  }

// kernel: kernel.14.cloned.1.call-start
scs
__scs_entry_jumppad:
0x0: {  	(pc) =	sbr.rel $0x88, $3  }
0x1: {  	(tag) =	ssettag $0x0;
	lr =	simm.s32 $0x1  }
0x2: {  	[smem:$0x3F9B] =	sst lr;
	_ =	strace $0xD0000000  }
0x3: {  	_ = 	snop  }
0x4: {  	_ = 	snop  }
0x5: {  	_ = 	snop  }
0x6: {  	_ = 	snop  }
0x7: {  	_ = 	snop  }
__scs_overlays_trampoline_lowered:
0x8: {  	[smem:$0x3FAA] =	sst s0  }
0x9: {  	[smem:$0x3FAB] =	sst s1  }
0xa: {  	[smem:$0x3FAC] =	sst s2  }
0xb: {  	[smem:$0x3FAD] =	sst s3  }
0xc: {  	[smem:$0x3FAE] =	sst s4  }
0xd: {  	[smem:$0x3FAF] =	sst s5  }
0xe: {  	[smem:$0x3FB0] =	sst s6  }
0xf: {  	[smem:$0x3FB1] =	sst s7  }
0x10: {  	[smem:$0x3FB2] =	sst s8  }
0x11: {  	[smem:$0x3FB3] =	sst s9;
	s0 =	simm.s32 @!p0 $0x0  }
0x12: {  	s1 =	sld [smem:$0x3F99];
	s0 =	simm.s32 @p0 $0x1  }
0x13: {  	[smem:$0x3FB4] =	sst s0;
	s0 =	simm.s32 @!p1 $0x0  }
0x14: {  	s2 =	sld [smem:$0x3F98];
	s0 =	simm.s32 @p1 $0x1  }
0x15: {  	[smem:$0x3FB5] =	sst s0;
	s0 =	simm.s32 @!p2 $0x0  }
0x16: {  	s3 =	sld [smem:$0x3FDB];
	s0 =	simm.s32 @p2 $0x1  }
0x17: {  	s4 =	simm.s32 $0x1BF5;
	[smem:$0x3FB7] =	sst s0  }
0x18: {  	s0 =	sld [smem:$0x3F9A];
	_ =	swait.ge [sflag:s4], $0x0  }
0x19: {  	s7 =	sld [smem:$0x3F9B]  }
0x1a: {  	s8 =	sadd.s32 $0xFFFFE003, lr  }
0x1b: {  	s9 =	sadd.s32 $0xFFFFFEF7, lr;
	s5 =	simm.s32 $0xFFFFFFFF;
	p2 =	slt.u32 s8, $0xFFFFF086  }
0x1c: {  	p1 =	slt.u32 s9, $0xF7A;
	s5 =	simm.s32 @!p2 $0x0  }
0x1d: {  	s5 =	simm.s32 @p1 $0x1;
	p0 =	seq.s32 s7, s2  }
0x1e: {  	s7 =	smul.u32 @!p0 $0xF7A, s2;
	p2 =	seq.s32 @!p0 s5, $0x0  }
0x1f: {  	s9 =	smul.u32 $0xF7A, s1;
	s8 =	simm.s32 @!p0 $0x1BF5;
	p2 =	por !p2, p0  }
0x20: {  	[sflag:s8] =	ssyncset.s32 @!p0 $0xFFFFF086;
	s6 =	sadd.s32 @!p0 s3, s7;
	s7 =	simm.s32 @!p0 $0x108  }
0x21: {  	s3 =	sadd.s32 s3, s9;
	s6 =	sadd.s32 @!p0 $0x88, s6;
	s7 =	simm.s32 @p2 $0x1082  }
0x22: {  	[simem:s7], [sflag:s8] =	dma.local @!p0 [hbm:s6], $0xF7A  }
0x23: {  	s9 =	sor.u32 $0xD0000000, s2;
	s6 =	simm.s32 $0x108;
	_ =	swait.ge @!p0 [sflag:s8], $0x0  }
0x24: {  	s3 =	sadd.s32 $0x88, s3;
	s6 =	simm.s32 @!p1 $0x1082;
	[sflag:s4] =	ssyncset.s32 $0xFFFFF086  }
0x25: {  	[simem:s6], [sflag:s4] =	dma.local [hbm:s3], $0xF7A  }
0x26: {  	[smem:$0x3F9B] =	sst s1;
	(tag) =	ssettag s2;
	_ =	strace s9  }
0x27: {  	s1 =	sld [smem:$0x3FAB]  }
0x28: {  	s2 =	sld [smem:$0x3FAC]  }
0x29: {  	s4 =	sld [smem:$0x3FAE]  }
0x2a: {  	p0 =	seq.s32 s5, $0x0;
	s5 =	sld [smem:$0x3FAF]  }
0x2b: {  	s6 =	sld [smem:$0x3FB0]  }
0x2c: {  	s7 =	sld [smem:$0x3FB1]  }
0x2d: {  	s3 =	simm.s32 $0x108;
	s8 =	sld [smem:$0x3FB2]  }
0x2e: {  	s3 =	simm.s32 @!p0 $0x1082;
	s9 =	sld [smem:$0x3FB3]  }
0x2f: {  	lr =	sadd.s32 s0, s3;
	s0 =	sld [smem:$0x3FAA]  }
0x30: {  	s3 =	sld [smem:$0x3FAD]  }
0x31: {  	[smem:$0x3FB6] =	sst s10  }
0x32: {  	s10 =	sld [smem:$0x3FB4];
	_ =	sdelay $0x3  }
0x33: {  	p0 =	seq.s32 s10, $0x1;
	s10 =	sld [smem:$0x3FB6];
	_ =	sdelay $0x3  }
0x34: {  	[smem:$0x3FB6] =	sst s10  }
0x35: {  	s10 =	sld [smem:$0x3FB5];
	_ =	sdelay $0x3  }
0x36: {  	p1 =	seq.s32 s10, $0x1;
	s10 =	sld [smem:$0x3FB6];
	_ =	sdelay $0x3  }
0x37: {  	[smem:$0x3FB6] =	sst s10  }
0x38: {  	s10 =	sld [smem:$0x3FB7]  }
0x39: {  	_ = 	snop;
	(pc) =	sbr.ind lr, $3  }
0x3a: {  	_ = 	snop  }
0x3b: {  	_ = 	snop  }
0x3c: {  	p2 =	seq.s32 s10, $0x1;
	s10 =	sld [smem:$0x3FB6]  }
0x3d: {  	_ =	shalt  }
0x3e: {  	_ =	shalt  }
0x3f: {  	_ =	shalt  }
0x40: {  	_ =	shalt  }
0x41: {  	_ =	shalt  }
0x42: {  	_ =	shalt  }
0x43: {  	_ =	shalt  }
0x44: {  	_ =	shalt  }
0x45: {  	_ =	shalt  }
0x46: {  	_ =	shalt  }
0x47: {  	_ =	shalt  }
0x48: {  	_ =	shalt  }
0x49: {  	_ =	shalt  }
0x4a: {  	_ =	shalt  }
0x4b: {  	_ =	shalt  }
0x4c: {  	_ =	shalt  }
0x4d: {  	_ =	shalt  }
0x4e: {  	_ =	shalt  }
0x4f: {  	_ =	shalt  }
0x50: {  	_ =	shalt  }
0x51: {  	_ =	shalt  }
0x52: {  	_ =	shalt  }
0x53: {  	_ =	shalt  }
0x54: {  	_ =	shalt  }
0x55: {  	_ =	shalt  }
0x56: {  	_ =	shalt  }
0x57: {  	_ =	shalt  }
0x58: {  	_ =	shalt  }
0x59: {  	_ =	shalt  }
0x5a: {  	_ =	shalt  }
0x5b: {  	_ =	shalt  }
0x5c: {  	_ =	shalt  }
0x5d: {  	_ =	shalt  }
0x5e: {  	_ =	shalt  }
0x5f: {  	_ =	shalt  }
0x60: {  	_ =	shalt  }
0x61: {  	_ =	shalt  }
0x62: {  	_ =	shalt  }
0x63: {  	_ =	shalt  }
0x64: {  	_ =	shalt  }
0x65: {  	_ =	shalt  }
0x66: {  	_ =	shalt  }
0x67: {  	_ =	shalt  }
0x68: {  	_ =	shalt  }
0x69: {  	_ =	shalt  }
0x6a: {  	_ =	shalt  }
0x6b: {  	_ =	shalt  }
0x6c: {  	_ =	shalt  }
0x6d: {  	_ =	shalt  }
0x6e: {  	_ =	shalt  }
0x6f: {  	_ =	shalt  }
0x70: {  	_ =	shalt  }
0x71: {  	_ =	shalt  }
0x72: {  	_ =	shalt  }
0x73: {  	_ =	shalt  }
0x74: {  	_ =	shalt  }
0x75: {  	_ =	shalt  }
0x76: {  	_ =	shalt  }
0x77: {  	_ =	shalt  }
0x78: {  	_ =	shalt  }
0x79: {  	_ =	shalt  }
0x7a: {  	_ =	shalt  }
0x7b: {  	_ =	shalt  }
0x7c: {  	_ =	shalt  }
0x7d: {  	_ =	shalt  }
0x7e: {  	_ =	shalt  }
0x7f: {  	_ =	shalt  }
0x80: {  	_ =	shalt  }
0x81: {  	_ =	shalt  }
0x82: {  	_ =	shalt  }
0x83: {  	_ =	shalt  }
0x84: {  	_ =	shalt  }
0x85: {  	_ =	shalt  }
0x86: {  	_ =	shalt  }
0x87: {  	_ =	shalt  }
.Lfunc_end0:
.L_simem_size_0:
called_computation.2_lowered:
.L_overlay_start_0:
0x88: {  	s2 =	sld [smem:$0x3FD9]  }
0x89: {  	s3 =	sld [smem:$0x3FFE];
	_ =	sdelay $0x1  }
0x8a: {  	s1 =	srdreg.scid  }
0x8b: {  	s0 =	sand.u32 $0x1, s1  }
0x8c: {  	s16 =	sshll.u32 s0, $0xA;
	s2 =	sadd.s32 s3, s2  }
0x8d: {  	s2 =	sadd.s32 s2, s16  }
0x8e: {  	[smem:$0x3FC2] =	sst s2  }
0x8f: {  	_ = 	snop  }
0x90: {  	(tm) =	ssettm $0x1  }
0x91: {  	s17 =	sld [smem:$0x3FFB];
	_ =	sdelay $0x3  }
0x92: {  	_ =	strace s17  }
0x93: {  	s2 =	sld [smem:$0x3FFC];
	_ =	sdelay $0x3  }
0x94: {  	_ =	strace s2  }
0x95: {  	s2 =	sld [smem:$0x3FFD];
	_ =	sdelay $0x3  }
0x96: {  	_ =	strace s2  }
0x97: {  	_ =	strace $0x8FFFFFFF  }
0x98: {  	s18 =	sld [smem:$0x3FDB];
	_ =	sdelay $0x1  }
0x99: {  	s19 =	simm.s32 $_scs_section_size  }
0x9a: {  	s4 =	simm.s32 $_size__tile_overlayer_lowered;
	s5 =	simm.s32 $_tile_overlayer_lowered  }
0x9b: {  	s22 =	simm.s32 $0x1BFF;
	s21 =	sshll.u32 s5, $0x1;
	s2 =	sadd.s32 s19, s18  }
0x9c: {  	s6 =	simm.s32 $0x0;
	s20 =	sshll.u32 s4, $0x1;
	s4 =	sadd.s32 s21, s2  }
0x9d: {  	[timem:s6], [sflag:s22] =	dma.local [hbm:s4], s20  }
0x9e: {  	_ =	swait.ge [sflag:s22], s20  }
0x9f: {  	s3 =	ssub.s32 $0x0, s20;
	[sflag:s22] =	ssyncset.done $0x0  }
0xa0: {  	[sflag:s22] =	ssyncadd.s32 s3;
	_ =	sdelay $0x1  }
0xa1: {  	s23 =	simm.s32 $0x1B8B  }
0xa2: {  	_ =	swait.ge [sflag:s23], $0x1  }
0xa3: {  	[sflag:s23] =	ssyncset.done $0x0  }
0xa4: {  	s25 =	simm.s32 $0x1B8E;
	s24 =	sld [smem:$0x3FFE];
	[sflag:s23] =	ssyncadd.s32 $0xFFFFFFFF  }
0xa5: {  	s26 =	simm.s32 $execute0_lowered;
	[smem:$0x3FD2] =	sst s25  }
0xa6: {  	s4 =	sshll.u32 s26, $0x1;
	_ =	strace $0x8000004C;
	[dreg:$0x1] =	wrdreg $0xFFFFFFFF  }
0xa7: {  	s28 =	simm.s32 $_size_execute0_lowered;
	s2 =	sadd.s32 s2, s4;
	[dreg:$0x0] =	wrdreg $0x0  }
0xa8: {  	s4 =	sshll.u32 s28, $0x1;
	[dreg:$0x2] =	wrdreg s2  }
0xa9: {  	[dreg:$0x3] =	wrdreg s4  }
0xaa: {  	[dreg:$0x4] =	wrdreg $0xC0  }
0xab: {  	_ =	task [dreg:s6], $0x5FFFF  }
0xac: {  	[dreg:$0x1] =	wrdreg $0xFFFFFFFF  }
0xad: {  	[dreg:$0x0] =	wrdreg $0x60  }
0xae: {  	[dreg:$0x2] =	wrdreg s24  }
0xaf: {  	[dreg:$0x3] =	wrdreg $0x15E000  }
0xb0: {  	[dreg:$0x4] =	wrdreg $0xC0000  }
0xb1: {  	[dreg:$0x5] =	wrdreg $0x9  }
0xb2: {  	_ =	task.clear_ibuf [dreg:s6], $0x6FFFF;
	_ =	strace $0x9000004C  }
0xb3: {  	s29 =	simm.s32 $0x9;
	_ =	strace $0x8000004E  }
0xb4: {  	_ =	swait.ge [sflag:s29], $0x1  }
0xb5: {  	[sflag:s29] =	ssyncadd.s32 $0xFFFFFFFF  }
0xb6: {  	_ =	strace $0x9000004E  }
0xb7: {  	_ =	sfence  }
0xb8: {  	s30 =	sld [smem:$0x0];
	_ =	sdelay $0x2  }
0xb9: {  	s31 =	sshll.u32 s1, $0xD;
	s1 =	sshrl.u32 s1, $0x2  }
0xba: {  	s3 =	sand.u32 $0x4000, s31;
	s1 =	sadd.s32 s1, s30  }
0xbb: {  	s0 =	sor.u32 s3, s0;
	s1 =	sshll.u32 s1, $0x11  }
0xbc: {  	s0 =	sor.u32 s1, s0  }
0xbd: {  	s0 =	sadd.s32 $0x8F2B, s0  }
0xbe: {  	[sflag:s0] =	ssyncadd.remote.s32 $0x1  }
0xbf: {  	_ =	sfence.sel $0xFFFF  }
0xc0: {  	[dreg:$0x0] =	wrdreg $0xFFFFFFFF;
	(pc) =	sbr.abs _section_cstart, $3  }
0xc1: {  	[dreg:$0x1] =	wrdreg $0xFFFFFFFF  }
0xc2: {  	_ =	task.clear_ibuf [dreg:s6], $0x2FFFF;
	_ =	strace $0x9FFFFFFF  }
0xc3: {  	(tm) =	ssettm $0x7FFFFFFF  }
tec
execute0_lowered:
.L_overlay_start_1:
0x0: {  	(tag) =	ssettag $0x1  }
0x1: {  	s6 =	rddreg [dreg:$0x0]  }
0x2: {  	s1 =	rddreg [dreg:$0x1];
	s0 =	stileid.u32  }
0x3: {  	s2 =	srdreg.scid;
	s3 =	rddreg [dreg:$0x2];
	s4 =	simm.s32 $0x0  }
0x4: {  	s15 =	simm.s32 $0xA000;
	s16 =	simm.s32 $0x1;
	s5 =	smul.u32 $0xA00, s0  }
0x5: {  	s19 =	simm.s32 $0x5000;
	s20 =	simm.s32 $0x80;
	s11 =	smul.u32 $0x9E00, s0  }
0x6: {  	s7 =	sand.u32 $0x1, s2;
	s2 =	rddreg [dreg:$0x3];
	s9 =	smul.u32 $0x27800, s0  }
0x7: {  	[smem:$0x7FF] =	sst s4;
	s17 =	sshll.u32 s0, $0x6;
	s8 =	smul.u32 $0xA0000, s7  }
0x8: {  	_ =	strace $0x8000004D;
	s7 =	ssub.s32 $0x2, s7;
	s17 =	sor.u32 $0x1C01, s17  }
0x9: {  	s10 =	sadd.s32 s5, s6;
	s30 =	sshrl.u32 s9, $0x2;
	s12 =	sshrl.u32 s7, $0x1  }
0xa: {  	s18 =	sadd.s32 s11, s3;
	s21 =	sadd.s32 s11, s1;
	s29 =	sadd.s32 s11, s8  }
0xb: {  	s5 =	sadd.s32 s30, s1;
	s12 =	ssub.s32 s7, s12;
	s8 =	sadd.s32 $0x15800, s10  }
0xc: {  	s9 =	sadd.s32 $0x1F800, s10;
	s18 =	sshrl.u32 s18, $0x3;
	s21 =	sshrl.u32 s21, $0x3  }
0xd: {  	s31 =	sshrl.u32 s29, $0x3;
	s11 =	smax.u32 s12, $0x1;
	s12 =	sadd.s32 $0x2000, s5  }
0xe: {  	s14 =	sadd.s32 $0x6000, s5;
	s13 =	sadd.s32 s31, s6;
	s6 =	sadd.s32 $0x8000, s5  }
0xf: {  	v0 =	vimm.f32 $0.0e+00;
	s7 =	sadd.s32 $0x29800, s13;
	s10 =	sadd.s32 $0x51800, s13;
	s13 =	sadd.s32 $0x4000, s5  }
.LBB2_1:
0x10: {  	s23 =	simm.s32 $0x100;
	s22 =	simm.s32 $0x0  }
.LBB2_2:
0x11: {  	p0 =	sne.s32 s23, $0x7F00;
	[tilespmem:s22+$0xA030] =	vst v0;
	s24 =	smov.u32 s23;
	s23 =	sadd.s32 $0x100, s23  }
.Ltmp0:
0x12: {  	[tilespmem:s22+$0xA020] =	vst v0;
	(pc) =	sbr.rel @p0 .LBB2_2-.Ltmp0, $3  }
0x13: {  	[tilespmem:s22+$0xA000] =	vst v0  }
0x14: {  	[tilespmem:s22+$0xA010] =	vst v0;
	_ =	sdelay $0x1  }
0x15: {  	s22 =	sshra.s32 s24, $0x2  }
0x16: {  	[tilespmem:s22+$0xA030] =	vst v0  }
0x17: {  	[tilespmem:s22+$0xA020] =	vst v0  }
0x18: {  	[tilespmem:s22+$0xA000] =	vst v0  }
0x19: {  	[tilespmem:s22+$0xA010] =	vst v0  }
0x1a: {  	[spmem:s5] =	stream.linear.scatter [tilespmem:s15], [sflag:$0x1], $0x2000, $0x38;
	[tilespmem:$0x1FC00] =	vst v63  }
0x1b: {  	_ =	swait.ge [sflag:s16], $0x2000  }
0x1c: {  	[sflag:s16] =	ssyncset.done $0x0  }
0x1d: {  	[sflag:s16] =	ssyncadd.s32 $0xFFFFE000  }
0x1e: {  	[spmem:s12] =	stream.linear.scatter [tilespmem:s15], [sflag:$0x1], $0x2000, $0x38;
	[tilespmem:$0x1FC00] =	vst v63  }
0x1f: {  	_ =	swait.ge [sflag:s16], $0x2000  }
0x20: {  	[sflag:s16] =	ssyncset.done $0x0  }
0x21: {  	[sflag:s16] =	ssyncadd.s32 $0xFFFFE000  }
0x22: {  	[spmem:s13] =	stream.linear.scatter [tilespmem:s15], [sflag:$0x1], $0x2000, $0x38;
	[tilespmem:$0x1FC00] =	vst v63  }
0x23: {  	_ =	swait.ge [sflag:s16], $0x2000  }
0x24: {  	[sflag:s16] =	ssyncset.done $0x0  }
0x25: {  	[sflag:s16] =	ssyncadd.s32 $0xFFFFE000  }
0x26: {  	[spmem:s14] =	stream.linear.scatter [tilespmem:s15], [sflag:$0x1], $0x2000, $0x38;
	[tilespmem:$0x1FC00] =	vst v63  }
0x27: {  	_ =	swait.ge [sflag:s16], $0x2000  }
0x28: {  	[sflag:s16] =	ssyncset.done $0x0  }
0x29: {  	[sflag:s16] =	ssyncadd.s32 $0xFFFFE000  }
0x2a: {  	[spmem:s6] =	stream.linear.scatter [tilespmem:s15], [sflag:$0x1], $0x1E00, $0x38;
	[tilespmem:$0x1FC00] =	vst v63  }
0x2b: {  	_ =	swait.ge [sflag:s16], $0x1E00  }
0x2c: {  	[sflag:s16] =	ssyncset.done $0x0  }
0x2d: {  	[sflag:s16] =	ssyncadd.s32 $0xFFFFE200  }
0x2e: {  	[spmem:s18], [sflag:s17] =	dma.local [hbm:s7], $0x13C0  }
0x2f: {  	_ =	swait.ge [sflag:s16], $0x13C0  }
0x30: {  	[sflag:s16] =	ssyncset.done $0x0  }
0x31: {  	s29 =	simm.s32 $0x0;
	[sflag:s16] =	ssyncadd.s32 $0xFFFFEC40  }
0x32: {  	[tilespmem:s29], [sflag:$0x1] =	stream.linear.gather [hbm4b:s8+s29], $0x5000, $0x38;
	[tilespmem:$0x1FC00] =	vst v63  }
0x33: {  	_ =	swait.ge [sflag:s16], $0x5000  }
0x34: {  	[sflag:s16] =	ssyncset.done $0x0  }
0x35: {  	[sflag:s16] =	ssyncadd.s32 $0xFFFFB000  }
0x36: {  	[tilespmem:s19], [sflag:$0x1] =	stream.linear.gather [hbm4b:s9+s29], $0x5000, $0x38;
	[tilespmem:$0x1FC00] =	vst v63  }
0x37: {  	_ =	swait.ge [sflag:s16], $0x5000  }
0x38: {  	[sflag:s16] =	ssyncset.done $0x0  }
0x39: {  	[sflag:s16] =	ssyncadd.s32 $0xFFFFB000  }
0x3a: {  	s30 =	simm.s32 $0x0;
	[bflag:$0x0] =	sbarrier.arrive $0xFFFF  }
0x3b: {  	[tilespmem:s15], [sflag:$0x1] =	stream.indirect.gather [spmem:s3], $0x40, s30, s20, $0xb8;
	[tilespmem:$0x1FC00] =	vst v63  }
0x3c: {  	_ =	swait.ge [sflag:s16], $0x2000  }
0x3d: {  	[sflag:s16] =	ssyncset.done $0x0  }
0x3e: {  	s31 =	simm.s32 $0x5000;
	[sflag:s16] =	ssyncadd.s32 $0xFFFFE000  }
0x3f: {  	[spmem:s1] =	stream.indirect.scatter.add.f32 [tilespmem:s15], [sflag:$0x1], $0x40, s31, s20, $0xb8;
	[tilespmem:$0x1FC00] =	vst v63  }
0x40: {  	_ =	swait.ge [sflag:s16], $0x2000  }
0x41: {  	s22 =	simm.s32 $0x200;
	s23 =	simm.s32 $0x400;
	[sflag:s16] =	ssyncset.done $0x0  }
.LBB2_4:
0x42: {  	s24 =	sshra.s32 s22, $0x2  }
0x43: {  	[sflag:s16] =	ssyncadd.s32 $0xFFFFE000;
	s22 =	smov.u32 s23;
	s25 =	sadd.s32 $0x200, s23  }
0x44: {  	[tilespmem:s15], [sflag:$0x1] =	stream.indirect.gather [spmem:s3], $0x40, s24, s20, $0xb8;
	[tilespmem:$0x1FC00] =	vst v63  }
0x45: {  	p0 =	sne.s32 s23, $0x13E00;
	_ =	swait.ge [sflag:s16], $0x2000  }
.Ltmp1:
0x46: {  	[sflag:s16] =	ssyncset.done $0x0;
	(pc) =	sbr.rel @p0 .LBB2_4-.Ltmp1, $4  }
0x47: {  	s23 =	sadd.s32 $0x5000, s24;
	[sflag:s16] =	ssyncadd.s32 $0xFFFFE000  }
0x48: {  	[spmem:s1] =	stream.indirect.scatter.add.f32 [tilespmem:s15], [sflag:$0x1], $0x40, s23, s20, $0xb8;
	[tilespmem:$0x1FC00] =	vst v63  }
0x49: {  	_ =	swait.ge [sflag:s16], $0x2000  }
0x4a: {  	s23 =	smov.u32 s25;
	[sflag:s16] =	ssyncset.done $0x0  }
0x4b: {  	s22 =	sshra.s32 s22, $0x2;
	[sflag:s16] =	ssyncadd.s32 $0xFFFFE000  }
0x4c: {  	[tilespmem:s15], [sflag:$0x1] =	stream.indirect.gather [spmem:s3], $0x40, s22, s20, $0xb8;
	[tilespmem:$0x1FC00] =	vst v63  }
0x4d: {  	_ =	swait.ge [sflag:s16], $0x2000  }
0x4e: {  	[sflag:s16] =	ssyncset.done $0x0  }
0x4f: {  	s22 =	sadd.s32 $0x5000, s22;
	[sflag:s16] =	ssyncadd.s32 $0xFFFFE000  }
0x50: {  	[spmem:s1] =	stream.indirect.scatter.add.f32 [tilespmem:s15], [sflag:$0x1], $0x40, s22, s20, $0xb8;
	[tilespmem:$0x1FC00] =	vst v63  }
0x51: {  	_ =	swait.ge [sflag:s16], $0x2000  }
0x52: {  	s4 =	sadd.s32 $0x1, s4;
	[sflag:s16] =	ssyncset.done $0x0  }
0x53: {  	p0 =	sne.s32 s4, s11;
	[sflag:s16] =	ssyncadd.s32 $0xFFFFE000  }
.Ltmp2:
0x54: {  	[bflag:$0x0] =	sbarrier.arrive $0xFFFF;
	(pc) =	sbr.rel @p0 .LBB2_1-.Ltmp2, $4  }
0x55: {  	[hbm:s10], [sflag:s17] =	dma.local [spmem:s21], $0x13C0  }
0x56: {  	_ =	swait.ge [sflag:s16], $0x13C0  }
0x57: {  	[sflag:s16] =	ssyncset.done $0x0  }
0x58: {  	[sflag:s16] =	ssyncadd.s32 $0xFFFFEC40  }
0x59: {  	_ =	sfence.sel $0x180000  }
0x5a: {  	[bflag:$0x0] =	sbarrier.arrive $0xFFFF  }
0x5b: {  	p0 =	sne.s32 s0, $0x0;
	_ =	strace $0x9000004D  }
0x5c: {  	s0 =	sadd.s32 @!p0 $0x100000, s2;
	[bflag:$0x2] =	sbarrier.arrive $0xFFFF  }
0x5d: {  	[sflag:s0] =	ssyncadd.tile.s32 @!p0 $0x1;
	_ =	shalt  }
.Lfunc_end2:
_tile_overlayer_lowered:
.L_overlay_start_2:
0x5e: {  	(tag) =	ssettag $0x2  }
0x5f: {  	s0 =	rddreg [dreg:$0x0];
	s2 =	stileid.u32  }
0x60: {  	s1 =	rddreg [dreg:$0x1];
	p0 =	sne.s32 s2, $0x0  }
0x61: {  	s3 =	rddreg [dreg:$0x2];
	[bflag:$0x3] =	sbarrier.arrive $0xFFFF;
	s2 =	simm.s32 @!p0 $0x1C01  }
0x62: {  	[timem:s3], [sflag:s2] =	dma.local @!p0 [hbm:s0], s1  }
0x63: {  	s0 =	simm.s32 @!p0 $0x1  }
0x64: {  	_ =	swait.ge @!p0 [sflag:s0], s1  }
0x65: {  	s1 =	ssub.s32 @!p0 $0x0, s1;
	[sflag:s0] =	ssyncset.done @!p0 $0x0  }
0x66: {  	[sflag:s0] =	ssyncadd.s32 @!p0 s1  }
0x67: {  	[bflag:$0x3] =	sbarrier.arrive $0xFFFF  }
0x68: {  	_ =	shalt  }

// kernel: kernel.8.cloned.1.call-start
scs
__scs_entry_jumppad:
0x0: {  	(pc) =	sbr.rel $0x88, $3  }
0x1: {  	(tag) =	ssettag $0x0;
	lr =	simm.s32 $0x1  }
0x2: {  	[smem:$0x3F9B] =	sst lr;
	_ =	strace $0xD0000000  }
0x3: {  	_ = 	snop  }
0x4: {  	_ = 	snop  }
0x5: {  	_ = 	snop  }
0x6: {  	_ = 	snop  }
0x7: {  	_ = 	snop  }
__scs_overlays_trampoline_lowered:
0x8: {  	[smem:$0x3FAA] =	sst s0  }
0x9: {  	[smem:$0x3FAB] =	sst s1  }
0xa: {  	[smem:$0x3FAC] =	sst s2  }
0xb: {  	[smem:$0x3FAD] =	sst s3  }
0xc: {  	[smem:$0x3FAE] =	sst s4  }
0xd: {  	[smem:$0x3FAF] =	sst s5  }
0xe: {  	[smem:$0x3FB0] =	sst s6  }
0xf: {  	[smem:$0x3FB1] =	sst s7  }
0x10: {  	[smem:$0x3FB2] =	sst s8  }
0x11: {  	[smem:$0x3FB3] =	sst s9;
	s0 =	simm.s32 @!p0 $0x0  }
0x12: {  	s1 =	sld [smem:$0x3F99];
	s0 =	simm.s32 @p0 $0x1  }
0x13: {  	[smem:$0x3FB4] =	sst s0;
	s0 =	simm.s32 @!p1 $0x0  }
0x14: {  	s2 =	sld [smem:$0x3F98];
	s0 =	simm.s32 @p1 $0x1  }
0x15: {  	[smem:$0x3FB5] =	sst s0;
	s0 =	simm.s32 @!p2 $0x0  }
0x16: {  	s3 =	sld [smem:$0x3FDB];
	s0 =	simm.s32 @p2 $0x1  }
0x17: {  	s4 =	simm.s32 $0x1BF5;
	[smem:$0x3FB7] =	sst s0  }
0x18: {  	s0 =	sld [smem:$0x3F9A];
	_ =	swait.ge [sflag:s4], $0x0  }
0x19: {  	s7 =	sld [smem:$0x3F9B]  }
0x1a: {  	s8 =	sadd.s32 $0xFFFFE003, lr  }
0x1b: {  	s9 =	sadd.s32 $0xFFFFFEF7, lr;
	s5 =	simm.s32 $0xFFFFFFFF;
	p2 =	slt.u32 s8, $0xFFFFF086  }
0x1c: {  	p1 =	slt.u32 s9, $0xF7A;
	s5 =	simm.s32 @!p2 $0x0  }
0x1d: {  	s5 =	simm.s32 @p1 $0x1;
	p0 =	seq.s32 s7, s2  }
0x1e: {  	s7 =	smul.u32 @!p0 $0xF7A, s2;
	p2 =	seq.s32 @!p0 s5, $0x0  }
0x1f: {  	s9 =	smul.u32 $0xF7A, s1;
	s8 =	simm.s32 @!p0 $0x1BF5;
	p2 =	por !p2, p0  }
0x20: {  	[sflag:s8] =	ssyncset.s32 @!p0 $0xFFFFF086;
	s6 =	sadd.s32 @!p0 s3, s7;
	s7 =	simm.s32 @!p0 $0x108  }
0x21: {  	s3 =	sadd.s32 s3, s9;
	s6 =	sadd.s32 @!p0 $0x88, s6;
	s7 =	simm.s32 @p2 $0x1082  }
0x22: {  	[simem:s7], [sflag:s8] =	dma.local @!p0 [hbm:s6], $0xF7A  }
0x23: {  	s9 =	sor.u32 $0xD0000000, s2;
	s6 =	simm.s32 $0x108;
	_ =	swait.ge @!p0 [sflag:s8], $0x0  }
0x24: {  	s3 =	sadd.s32 $0x88, s3;
	s6 =	simm.s32 @!p1 $0x1082;
	[sflag:s4] =	ssyncset.s32 $0xFFFFF086  }
0x25: {  	[simem:s6], [sflag:s4] =	dma.local [hbm:s3], $0xF7A  }
0x26: {  	[smem:$0x3F9B] =	sst s1;
	(tag) =	ssettag s2;
	_ =	strace s9  }
0x27: {  	s1 =	sld [smem:$0x3FAB]  }
0x28: {  	s2 =	sld [smem:$0x3FAC]  }
0x29: {  	s4 =	sld [smem:$0x3FAE]  }
0x2a: {  	p0 =	seq.s32 s5, $0x0;
	s5 =	sld [smem:$0x3FAF]  }
0x2b: {  	s6 =	sld [smem:$0x3FB0]  }
0x2c: {  	s7 =	sld [smem:$0x3FB1]  }
0x2d: {  	s3 =	simm.s32 $0x108;
	s8 =	sld [smem:$0x3FB2]  }
0x2e: {  	s3 =	simm.s32 @!p0 $0x1082;
	s9 =	sld [smem:$0x3FB3]  }
0x2f: {  	lr =	sadd.s32 s0, s3;
	s0 =	sld [smem:$0x3FAA]  }
0x30: {  	s3 =	sld [smem:$0x3FAD]  }
0x31: {  	[smem:$0x3FB6] =	sst s10  }
0x32: {  	s10 =	sld [smem:$0x3FB4];
	_ =	sdelay $0x3  }
0x33: {  	p0 =	seq.s32 s10, $0x1;
	s10 =	sld [smem:$0x3FB6];
	_ =	sdelay $0x3  }
0x34: {  	[smem:$0x3FB6] =	sst s10  }
0x35: {  	s10 =	sld [smem:$0x3FB5];
	_ =	sdelay $0x3  }
0x36: {  	p1 =	seq.s32 s10, $0x1;
	s10 =	sld [smem:$0x3FB6];
	_ =	sdelay $0x3  }
0x37: {  	[smem:$0x3FB6] =	sst s10  }
0x38: {  	s10 =	sld [smem:$0x3FB7]  }
0x39: {  	_ = 	snop;
	(pc) =	sbr.ind lr, $3  }
0x3a: {  	_ = 	snop  }
0x3b: {  	_ = 	snop  }
0x3c: {  	p2 =	seq.s32 s10, $0x1;
	s10 =	sld [smem:$0x3FB6]  }
0x3d: {  	_ =	shalt  }
0x3e: {  	_ =	shalt  }
0x3f: {  	_ =	shalt  }
0x40: {  	_ =	shalt  }
0x41: {  	_ =	shalt  }
0x42: {  	_ =	shalt  }
0x43: {  	_ =	shalt  }
0x44: {  	_ =	shalt  }
0x45: {  	_ =	shalt  }
0x46: {  	_ =	shalt  }
0x47: {  	_ =	shalt  }
0x48: {  	_ =	shalt  }
0x49: {  	_ =	shalt  }
0x4a: {  	_ =	shalt  }
0x4b: {  	_ =	shalt  }
0x4c: {  	_ =	shalt  }
0x4d: {  	_ =	shalt  }
0x4e: {  	_ =	shalt  }
0x4f: {  	_ =	shalt  }
0x50: {  	_ =	shalt  }
0x51: {  	_ =	shalt  }
0x52: {  	_ =	shalt  }
0x53: {  	_ =	shalt  }
0x54: {  	_ =	shalt  }
0x55: {  	_ =	shalt  }
0x56: {  	_ =	shalt  }
0x57: {  	_ =	shalt  }
0x58: {  	_ =	shalt  }
0x59: {  	_ =	shalt  }
0x5a: {  	_ =	shalt  }
0x5b: {  	_ =	shalt  }
0x5c: {  	_ =	shalt  }
0x5d: {  	_ =	shalt  }
0x5e: {  	_ =	shalt  }
0x5f: {  	_ =	shalt  }
0x60: {  	_ =	shalt  }
0x61: {  	_ =	shalt  }
0x62: {  	_ =	shalt  }
0x63: {  	_ =	shalt  }
0x64: {  	_ =	shalt  }
0x65: {  	_ =	shalt  }
0x66: {  	_ =	shalt  }
0x67: {  	_ =	shalt  }
0x68: {  	_ =	shalt  }
0x69: {  	_ =	shalt  }
0x6a: {  	_ =	shalt  }
0x6b: {  	_ =	shalt  }
0x6c: {  	_ =	shalt  }
0x6d: {  	_ =	shalt  }
0x6e: {  	_ =	shalt  }
0x6f: {  	_ =	shalt  }
0x70: {  	_ =	shalt  }
0x71: {  	_ =	shalt  }
0x72: {  	_ =	shalt  }
0x73: {  	_ =	shalt  }
0x74: {  	_ =	shalt  }
0x75: {  	_ =	shalt  }
0x76: {  	_ =	shalt  }
0x77: {  	_ =	shalt  }
0x78: {  	_ =	shalt  }
0x79: {  	_ =	shalt  }
0x7a: {  	_ =	shalt  }
0x7b: {  	_ =	shalt  }
0x7c: {  	_ =	shalt  }
0x7d: {  	_ =	shalt  }
0x7e: {  	_ =	shalt  }
0x7f: {  	_ =	shalt  }
0x80: {  	_ =	shalt  }
0x81: {  	_ =	shalt  }
0x82: {  	_ =	shalt  }
0x83: {  	_ =	shalt  }
0x84: {  	_ =	shalt  }
0x85: {  	_ =	shalt  }
0x86: {  	_ =	shalt  }
0x87: {  	_ =	shalt  }
.Lfunc_end0:
.L_simem_size_0:
called_computation_lowered:
.L_overlay_start_0:
0x88: {  	s2 =	sld [smem:$0x3FD9]  }
0x89: {  	s3 =	sld [smem:$0x3FFE];
	_ =	sdelay $0x1  }
0x8a: {  	s1 =	srdreg.scid  }
0x8b: {  	s0 =	sand.u32 $0x1, s1  }
0x8c: {  	s17 =	sshll.u32 s0, $0xA;
	s2 =	sadd.s32 s3, s2  }
0x8d: {  	s2 =	sadd.s32 s2, s17  }
0x8e: {  	[smem:$0x3FC2] =	sst s2  }
0x8f: {  	_ = 	snop  }
0x90: {  	s2 =	sld [smem:$0x3FD0];
	(tm) =	ssettm $0x1  }
0x91: {  	s18 =	sld [smem:$0x3FFB];
	_ =	sdelay $0x3  }
0x92: {  	_ =	strace s18  }
0x93: {  	s3 =	sld [smem:$0x3FFC];
	_ =	sdelay $0x3  }
0x94: {  	_ =	strace s3  }
0x95: {  	s3 =	sld [smem:$0x3FFD];
	_ =	sdelay $0x3  }
0x96: {  	_ =	strace s3  }
0x97: {  	_ =	strace $0x8FFFFFFF  }
0x98: {  	s19 =	sld [smem:$0x3FDB];
	_ =	sdelay $0x1  }
0x99: {  	s4 =	simm.s32 $_scs_section_size  }
0x9a: {  	s5 =	simm.s32 $_size__tile_overlayer_lowered;
	s6 =	simm.s32 $_tile_overlayer_lowered  }
0x9b: {  	s22 =	simm.s32 $0x1BFF;
	s21 =	sshll.u32 s6, $0x1;
	s3 =	sadd.s32 s4, s19  }
0x9c: {  	s7 =	simm.s32 $0x0;
	s20 =	sshll.u32 s5, $0x1;
	s5 =	sadd.s32 s21, s3  }
0x9d: {  	[timem:s7], [sflag:s22] =	dma.local [hbm:s5], s20  }
0x9e: {  	_ =	swait.ge [sflag:s22], s20  }
0x9f: {  	s4 =	ssub.s32 $0x0, s20;
	[sflag:s22] =	ssyncset.done $0x0  }
0xa0: {  	[sflag:s22] =	ssyncadd.s32 s4;
	_ =	sdelay $0x1  }
0xa1: {  	s23 =	simm.s32 $0x1B8B  }
0xa2: {  	_ =	swait.ge [sflag:s23], $0x1  }
0xa3: {  	[sflag:s23] =	ssyncset.done $0x0  }
0xa4: {  	s25 =	simm.s32 $0x1B8E;
	s24 =	sld [smem:$0x3FFE];
	[sflag:s23] =	ssyncadd.s32 $0xFFFFFFFF  }
0xa5: {  	s26 =	simm.s32 $execute0_lowered;
	[smem:$0x3FD2] =	sst s25  }
0xa6: {  	s5 =	sshll.u32 s26, $0x1;
	_ =	strace $0x80000046;
	[dreg:$0x1] =	wrdreg $0xFFFFFFFF  }
0xa7: {  	s28 =	simm.s32 $_size_execute0_lowered;
	s3 =	sadd.s32 s3, s5;
	[dreg:$0x0] =	wrdreg $0x0  }
0xa8: {  	s5 =	sshll.u32 s28, $0x1;
	[dreg:$0x2] =	wrdreg s3  }
0xa9: {  	[dreg:$0x3] =	wrdreg s5  }
0xaa: {  	[dreg:$0x4] =	wrdreg $0xC0  }
0xab: {  	_ =	task [dreg:s7], $0x5FFFF  }
0xac: {  	[dreg:$0x1] =	wrdreg $0xFFFFFFFF  }
0xad: {  	[dreg:$0x0] =	wrdreg $0x60  }
0xae: {  	[dreg:$0x2] =	wrdreg s24  }
0xaf: {  	[dreg:$0x3] =	wrdreg s2  }
0xb0: {  	[dreg:$0x4] =	wrdreg $0x9  }
0xb1: {  	_ =	task.clear_ibuf [dreg:s7], $0x5FFFF;
	_ =	strace $0x90000046  }
0xb2: {  	s29 =	simm.s32 $0x9;
	_ =	strace $0x80000048  }
0xb3: {  	_ =	swait.ge [sflag:s29], $0x1  }
0xb4: {  	[sflag:s29] =	ssyncadd.s32 $0xFFFFFFFF  }
0xb5: {  	_ =	strace $0x90000048  }
0xb6: {  	_ =	sfence  }
0xb7: {  	s30 =	sld [smem:$0x0];
	_ =	sdelay $0x2  }
0xb8: {  	s31 =	sshll.u32 s1, $0xD;
	s1 =	sshrl.u32 s1, $0x2  }
0xb9: {  	s3 =	sand.u32 $0x4000, s31;
	s1 =	sadd.s32 s1, s30  }
0xba: {  	s0 =	sor.u32 s3, s0;
	s1 =	sshll.u32 s1, $0x11  }
0xbb: {  	s0 =	sor.u32 s1, s0  }
0xbc: {  	s0 =	sadd.s32 $0x8F2B, s0  }
0xbd: {  	[sflag:s0] =	ssyncadd.remote.s32 $0x1  }
0xbe: {  	_ =	sfence.sel $0xFFFF  }
0xbf: {  	[dreg:$0x0] =	wrdreg $0xFFFFFFFF;
	(pc) =	sbr.abs _section_cstart, $3  }
0xc0: {  	[dreg:$0x1] =	wrdreg $0xFFFFFFFF  }
0xc1: {  	_ =	task.clear_ibuf [dreg:s7], $0x2FFFF;
	_ =	strace $0x9FFFFFFF  }
0xc2: {  	(tm) =	ssettm $0x7FFFFFFF  }
0xc3: {  	_ =	shalt  }
tec
execute0_lowered:
.L_overlay_start_1:
0x0: {  	(tag) =	ssettag $0x1  }
0x1: {  	s1 =	srdreg.scid;
	s3 =	rddreg [dreg:$0x0]  }
0x2: {  	s0 =	stileid.u32;
	s6 =	rddreg [dreg:$0x1]  }
0x3: {  	s2 =	simm.s32 $0x0;
	s9 =	simm.s32 $0x2800;
	s10 =	simm.s32 $0x5000  }
0x4: {  	s11 =	simm.s32 $0x7800;
	s12 =	simm.s32 $0x80;
	s13 =	simm.s32 $0x100  }
0x5: {  	s4 =	sand.u32 $0x1, s1;
	s5 =	smul.u32 $0x5000, s0;
	s1 =	rddreg [dreg:$0x2]  }
0x6: {  	[smem:$0x7FF] =	sst s2;
	s7 =	smul.u32 $0x2800, s4;
	s8 =	sshll.u32 s4, $0x4  }
0x7: {  	s4 =	ssub.s32 $0x2, s4;
	_ =	strace $0x80000047;
	s29 =	sor.u32 s0, s8  }
0x8: {  	s30 =	sshrl.u32 s4, $0x1;
	s5 =	sadd.s32 s7, s5;
	s7 =	smul.u32 $0xA00, s29  }
0x9: {  	s8 =	simm.s32 $0x1;
	s31 =	ssub.s32 s4, s30;
	s5 =	sshrl.u32 s5, $0x3  }
0xa: {  	s5 =	sadd.s32 s5, s3;
	s4 =	sadd.s32 s6, s7;
	s7 =	smax.u32 s31, $0x1  }
0xb: {  	v0 =	vimm.f32 $0.0e+00;
	v1 =	vimm.f32 $1.000000000e+00;
	s3 =	sadd.s32 $0x1800, s5;
	s5 =	sadd.s32 $0xB800, s5;
	s6 =	sadd.s32 $0x10, s4  }
.LBB2_1:
0xc: {  	s14 =	simm.s32 $0x40;
	s15 =	simm.s32 $0x0  }
.LBB2_2:
0xd: {  	p0 =	sne.s32 s14, $0x9FC0;
	[tilespmem:s15+$0x5000] =	vst v0;
	s16 =	smov.u32 s14;
	s14 =	sadd.s32 $0x40, s14  }
.Ltmp0:
0xe: {  	[tilespmem:s15+$0x7800] =	vst v0;
	(pc) =	sbr.rel @p0 .LBB2_2-.Ltmp0, $2  }
0xf: {  	_ =	sdelay $0x2  }
0x10: {  	s15 =	sshra.s32 s16, $0x2  }
0x11: {  	[tilespmem:s15+$0x5000] =	vst v0  }
0x12: {  	[tilespmem:s15+$0x7800] =	vst v0;
	s14 =	simm.s32 $0x0  }
0x13: {  	[tilespmem:s14], [sflag:$0x1] =	stream.linear.gather [hbm4b:s3+s14], $0x2800, $0x38;
	[tilespmem:$0xA000] =	vst v63  }
0x14: {  	_ =	swait.ge [sflag:s8], $0x2800  }
0x15: {  	[sflag:s8] =	ssyncset.done $0x0  }
0x16: {  	[sflag:s8] =	ssyncadd.s32 $0xFFFFD800  }
0x17: {  	[tilespmem:s9], [sflag:$0x1] =	stream.linear.gather [hbm4b:s5+s14], $0x2800, $0x38;
	[tilespmem:$0xA000] =	vst v63  }
0x18: {  	_ =	swait.ge [sflag:s8], $0x2800  }
0x19: {  	[sflag:s8] =	ssyncset.done $0x0  }
0x1a: {  	[sflag:s8] =	ssyncadd.s32 $0xFFFFD800  }
.LBB2_4:
0x1b: {  	s15 =	sshra.s32 s14, $0x2  }
0x1c: {  	v2 =	vld [tilespmem:s15+$0x0];
	_ =	sdelay $0x7  }
0x1d: {  	[tilespmem:v2+s10+$0x0] =	vst.idx.add.f32.msk $0xffff, v1  }
0x1e: {  	v2 =	vld [tilespmem:s15+$0x2800];
	_ =	sdelay $0x7  }
0x1f: {  	[tilespmem:v2+s11+$0x0] =	vst.idx.add.f32.msk $0xffff, v1  }
0x20: {  	v2 =	vld [tilespmem:s15+$0x10];
	_ =	sdelay $0x7  }
0x21: {  	[tilespmem:v2+s10+$0x0] =	vst.idx.add.f32.msk $0xffff, v1  }
0x22: {  	v2 =	vld [tilespmem:s15+$0x2810];
	_ =	sdelay $0x7  }
0x23: {  	[tilespmem:v2+s11+$0x0] =	vst.idx.add.f32.msk $0xffff, v1  }
0x24: {  	v2 =	vld [tilespmem:s15+$0x20];
	_ =	sdelay $0x7  }
0x25: {  	[tilespmem:v2+s10+$0x0] =	vst.idx.add.f32.msk $0xffff, v1  }
0x26: {  	v2 =	vld [tilespmem:s15+$0x2820];
	_ =	sdelay $0x7  }
0x27: {  	[tilespmem:v2+s11+$0x0] =	vst.idx.add.f32.msk $0xffff, v1  }
0x28: {  	v2 =	vld [tilespmem:s15+$0x30];
	_ =	sdelay $0x7  }
0x29: {  	[tilespmem:v2+s10+$0x0] =	vst.idx.add.f32.msk $0xffff, v1  }
0x2a: {  	v2 =	vld [tilespmem:s15+$0x2830];
	_ =	sdelay $0x7  }
0x2b: {  	[tilespmem:v2+s11+$0x0] =	vst.idx.add.f32.msk $0xffff, v1  }
0x2c: {  	v2 =	vld [tilespmem:s15+$0x40];
	_ =	sdelay $0x7  }
0x2d: {  	[tilespmem:v2+s10+$0x0] =	vst.idx.add.f32.msk $0xffff, v1  }
0x2e: {  	v2 =	vld [tilespmem:s15+$0x2840];
	_ =	sdelay $0x7  }
0x2f: {  	[tilespmem:v2+s11+$0x0] =	vst.idx.add.f32.msk $0xffff, v1  }
0x30: {  	v2 =	vld [tilespmem:s15+$0x50];
	_ =	sdelay $0x7  }
0x31: {  	[tilespmem:v2+s10+$0x0] =	vst.idx.add.f32.msk $0xffff, v1  }
0x32: {  	v2 =	vld [tilespmem:s15+$0x2850];
	_ =	sdelay $0x7  }
0x33: {  	[tilespmem:v2+s11+$0x0] =	vst.idx.add.f32.msk $0xffff, v1  }
0x34: {  	v2 =	vld [tilespmem:s15+$0x60];
	_ =	sdelay $0x7  }
0x35: {  	[tilespmem:v2+s10+$0x0] =	vst.idx.add.f32.msk $0xffff, v1  }
0x36: {  	v2 =	vld [tilespmem:s15+$0x2860];
	_ =	sdelay $0x7  }
0x37: {  	[tilespmem:v2+s11+$0x0] =	vst.idx.add.f32.msk $0xffff, v1  }
0x38: {  	v2 =	vld [tilespmem:s15+$0x70];
	_ =	sdelay $0x7  }
0x39: {  	[tilespmem:v2+s10+$0x0] =	vst.idx.add.f32.msk $0xffff, v1  }
0x3a: {  	v2 =	vld [tilespmem:s15+$0x2870];
	_ =	sdelay $0x2  }
0x3b: {  	p0 =	sne.s32 s14, $0x9E00  }
.Ltmp1:
0x3c: {  	_ = 	snop;
	(pc) =	sbr.rel @p0 .LBB2_4-.Ltmp1, $2  }
0x3d: {  	_ =	sdelay $0x2  }
0x3e: {  	s14 =	sadd.s32 $0x200, s14;
	[tilespmem:v2+s11+$0x0] =	vst.idx.add.f32.msk $0xffff, v1  }
0x3f: {  	[hbm4b:s4+s12] =	stream.strided.scatter [tilespmem:s10], [sflag:$0x1], $0x2800, s13, s12, $0x38;
	[tilespmem:$0xA000] =	vst v63  }
0x40: {  	s2 =	sadd.s32 $0x1, s2;
	_ =	swait.ge [sflag:s8], $0x2800  }
0x41: {  	p0 =	sne.s32 s2, s7;
	[sflag:s8] =	ssyncset.done $0x0  }
.Ltmp2:
0x42: {  	[sflag:s8] =	ssyncadd.s32 $0xFFFFD800;
	(pc) =	sbr.rel @p0 .LBB2_1-.Ltmp2, $4  }
0x43: {  	[hbm4b:s6+s12] =	stream.strided.scatter [tilespmem:s11], [sflag:$0x1], $0x2800, s13, s12, $0x38;
	[tilespmem:$0xA000] =	vst v63  }
0x44: {  	_ =	swait.ge [sflag:s8], $0x2800  }
0x45: {  	[sflag:s8] =	ssyncset.done $0x0  }
0x46: {  	[sflag:s8] =	ssyncadd.s32 $0xFFFFD800  }
0x47: {  	_ =	sfence.sel $0x180000  }
0x48: {  	[bflag:$0x0] =	sbarrier.arrive $0xFFFF  }
0x49: {  	p0 =	sne.s32 s0, $0x0;
	_ =	strace $0x90000047  }
0x4a: {  	s0 =	sadd.s32 @!p0 $0x100000, s1;
	[bflag:$0x2] =	sbarrier.arrive $0xFFFF  }
0x4b: {  	[sflag:s0] =	ssyncadd.tile.s32 @!p0 $0x1;
	_ =	shalt  }
.Lfunc_end2:
_tile_overlayer_lowered:
.L_overlay_start_2:
0x4c: {  	(tag) =	ssettag $0x2  }
0x4d: {  	s0 =	rddreg [dreg:$0x0];
	s2 =	stileid.u32  }
0x4e: {  	s1 =	rddreg [dreg:$0x1];
	p0 =	sne.s32 s2, $0x0  }
0x4f: {  	s3 =	rddreg [dreg:$0x2];
	[bflag:$0x3] =	sbarrier.arrive $0xFFFF;
	s2 =	simm.s32 @!p0 $0x1C01  }
0x50: {  	[timem:s3], [sflag:s2] =	dma.local @!p0 [hbm:s0], s1  }
0x51: {  	s0 =	simm.s32 @!p0 $0x1  }
0x52: {  	_ =	swait.ge @!p0 [sflag:s0], s1  }
0x53: {  	s1 =	ssub.s32 @!p0 $0x0, s1;
	[sflag:s0] =	ssyncset.done @!p0 $0x0  }
0x54: {  	[sflag:s0] =	ssyncadd.s32 @!p0 s1  }
0x55: {  	[bflag:$0x3] =	sbarrier.arrive $0xFFFF  }
0x56: {  	_ =	shalt  }

</sc_bundles>
